<compile_context>
chip_gen: v7x
topology: tpu7x:2x2x1
jax: 0.10.2.dev20260603
libtpu: 0.0.44.dev20260713+nightly
codegen_flags: <defaults>
</compile_context>

<pallas_src>
import functools

import jax
import jax.numpy as jnp
from jax import lax
from jax.experimental import pallas as pl
from jax.experimental.pallas import tpu as pltpu
from jax.experimental.pallas import tpu_sc as plsc

B, T, C = 2, 2048, 768
E = 8
N = B * T
M = 256
NB = N // M + (E - 1)
PAD_N = NB * M
WV = 128
NC, NS = 2, 16
NW = NC * NS
TPW = N // NW
G, GS = NW, TPW


def _router_body(x_ref, wr_ref, br_ref, p_ref, bexp_ref, w_ref, aux_ref):
    x = x_ref[...]
    logits = jnp.dot(x, wr_ref[...], preferred_element_type=jnp.float32)
    logits = logits + br_ref[...]
    m = jnp.max(logits, axis=1, keepdims=True)
    ex = jnp.exp(logits - m)
    inv_s = 1.0 / jnp.sum(ex, axis=1, keepdims=True)
    probs = ex * inv_s

    is_max = (logits == m).astype(jnp.float32)
    u8 = (lax.broadcasted_iota(jnp.int32, (E, E), 0)
          < lax.broadcasted_iota(jnp.int32, (E, E), 1)).astype(jnp.float32)
    before = jnp.dot(is_max, u8, preferred_element_type=jnp.float32)
    oh = is_max * (before == 0.0).astype(jnp.float32)

    imp = jnp.sum(probs, axis=0, keepdims=True) * (1.0 / N)
    loadv = jnp.sum(oh, axis=0, keepdims=True) * (1.0 / N)
    aux_ref[...] = jnp.sum(imp * loadv, keepdims=True)

    w_ref[...] = jnp.broadcast_to(inv_s, (N, WV))

    oh3 = oh.reshape(G, GS, E)
    ltri = (lax.broadcasted_iota(jnp.int32, (GS, GS), 0)
            > lax.broadcasted_iota(jnp.int32, (GS, GS), 1)).astype(jnp.float32)
    l3 = jnp.broadcast_to(ltri[None], (G, GS, GS))
    within = lax.dot_general(l3, oh3, (((2,), (1,)), ((0,), (0,))),
                             preferred_element_type=jnp.float32)
    ones3 = jnp.ones((G, 1, GS), jnp.float32)
    tot = lax.dot_general(ones3, oh3, (((2,), (1,)), ((0,), (0,))),
                          preferred_element_type=jnp.float32).reshape(G, E)
    lg = (lax.broadcasted_iota(jnp.int32, (G, G), 0)
          > lax.broadcasted_iota(jnp.int32, (G, G), 1)).astype(jnp.float32)
    gpre = jnp.dot(lg, tot, preferred_element_type=jnp.float32)

    counts = jnp.sum(tot, axis=0, keepdims=True)
    ci = counts.astype(jnp.int32)
    pc = ((ci + (M - 1)) // M) * M
    base = jnp.dot(pc.astype(jnp.float32), u8,
                   preferred_element_type=jnp.float32)

    slot = within + gpre[:, None, :] + base.reshape(1, 1, E)
    p_ref[...] = jnp.sum(oh3 * slot, axis=2).astype(jnp.int32)

    nbe = (base.astype(jnp.int32) + pc) // M
    bi = lax.broadcasted_iota(jnp.int32, (NB, E), 0)
    bexp = jnp.sum((bi >= jnp.broadcast_to(nbe, (NB, E))).astype(jnp.int32),
                   axis=1)
    bexp_ref[...] = jnp.minimum(bexp, E - 1).reshape(1, NB)


_router = pl.pallas_call(
    _router_body,
    out_shape=[
        jax.ShapeDtypeStruct((G, GS), jnp.int32),
        jax.ShapeDtypeStruct((1, NB), jnp.int32),
        jax.ShapeDtypeStruct((N, WV), jnp.float32),
        jax.ShapeDtypeStruct((1, 1), jnp.float32),
    ],
)


def _expert_body(bexp_ref, xs_ref, ws_ref, we_ref, be_ref, ys_ref):
    del bexp_ref
    xb = xs_ref[...].astype(jnp.bfloat16)
    wb = we_ref[0].astype(jnp.bfloat16)
    y = jnp.dot(xb, wb, preferred_element_type=jnp.float32)
    y = (y + be_ref[0]) * ws_ref[:, 0:1]
    ys_ref[...] = y


_expert_mm = pl.pallas_call(
    _expert_body,
    grid_spec=pltpu.PrefetchScalarGridSpec(
        num_scalar_prefetch=1,
        grid=(NB,),
        in_specs=[
            pl.BlockSpec((M, C), lambda i, bexp: (i, 0)),
            pl.BlockSpec((M, WV), lambda i, bexp: (i, 0)),
            pl.BlockSpec((1, C, C), lambda i, bexp: (bexp[i], 0, 0)),
            pl.BlockSpec((1, 1, C), lambda i, bexp: (bexp[i], 0, 0)),
        ],
        out_specs=pl.BlockSpec((M, C), lambda i, bexp: (i, 0)),
    ),
    out_shape=jax.ShapeDtypeStruct((PAD_N, C), jnp.float32),
)

@functools.cache
def _sc_mesh():
    return plsc.VectorSubcoreMesh(
        core_axis_name="c", subcore_axis_name="s",
        num_cores=NC, num_subcores=NS)


@functools.cache
def _build_dispatch():
    @functools.partial(
        pl.kernel,
        mesh=_sc_mesh(),
        out_type=[
            jax.ShapeDtypeStruct((PAD_N, C), jnp.float32),
            jax.ShapeDtypeStruct((PAD_N, WV), jnp.float32),
        ],
        scratch_types=[
            pltpu.VMEM((TPW,), jnp.int32),
            pltpu.VMEM((TPW, C), jnp.float32),
            pltpu.VMEM((TPW, WV), jnp.float32),
            pltpu.SemaphoreType.DMA,
            pltpu.SemaphoreType.DMA,
        ],
    )
    def dispatch(x_hbm, w_hbm, p_hbm, xs_hbm, ws_hbm, idx_v, rows_v, wv,
                 s1, s2):
        wid = lax.axis_index("s") * NC + lax.axis_index("c")
        basetok = wid * TPW
        pltpu.sync_copy(p_hbm.at[wid], idx_v)
        pltpu.sync_copy(x_hbm.at[pl.ds(basetok, TPW)], rows_v)
        pltpu.sync_copy(w_hbm.at[pl.ds(basetok, TPW)], wv)
        cp1 = pltpu.async_copy(rows_v, xs_hbm.at[idx_v], s1)
        cp2 = pltpu.async_copy(wv, ws_hbm.at[idx_v], s2)
        cp1.wait()
        cp2.wait()

    return dispatch


@functools.cache
def _build_collect():
    @functools.partial(
        pl.kernel,
        mesh=_sc_mesh(),
        out_type=jax.ShapeDtypeStruct((N, C), jnp.float32),
        scratch_types=[
            pltpu.VMEM((TPW,), jnp.int32),
            pltpu.VMEM((TPW, C), jnp.float32),
            pltpu.SemaphoreType.DMA,
        ],
    )
    def collect(ys_hbm, p_hbm, out_hbm, idx_v, rows_v, sem):
        wid = lax.axis_index("s") * NC + lax.axis_index("c")
        basetok = wid * TPW
        pltpu.sync_copy(p_hbm.at[wid], idx_v)
        pltpu.async_copy(ys_hbm.at[idx_v], rows_v, sem).wait()
        pltpu.sync_copy(rows_v, out_hbm.at[pl.ds(basetok, TPW)])

    return collect


def kernel(x, Wr, br, We, be):
    x2 = x.reshape(N, C)
    p2, bexp2, w16, aux = _router(x2, Wr, br.reshape(1, E))
    xs, ws = _build_dispatch()(x2, w16, p2)
    ys = _expert_mm(bexp2.reshape(NB), xs, ws, We, be.reshape(E, 1, C))
    out = _build_collect()(ys, p2)
    return out.reshape(B, T, C), aux[0, 0]

# --- scband reference (transcript-rebuilt; emitter-appended) ---
"""Pipeline reference for scband-moe-6640019440403 (READ-ONLY COPY).

The authoritative reference and input builder live on the scoring server;
editing this copy changes nothing except your own understanding.
"""

import jax, jax.numpy as jnp
import numpy as np

B, T, C = 2, 2048, 768
N_EXPERTS = 8
K = 1

def setup_inputs(seed: int = 0) -> dict:
    key = jax.random.key(seed)
    ks = jax.random.split(key, 5)
    x = jax.random.normal(ks[0], (B, T, C), dtype=jnp.float32)
    # router: nn.Linear(embed, n_experts)
    Wr = jax.random.normal(ks[1], (C, N_EXPERTS), dtype=jnp.float32) * (1.0 / np.sqrt(C))
    br = jnp.zeros((N_EXPERTS,), dtype=jnp.float32)
    # experts: one Linear(embed, embed) per expert (Expert(embed))
    We = jax.random.normal(ks[2], (N_EXPERTS, C, C), dtype=jnp.float32) * (1.0 / np.sqrt(C))
    be = jnp.zeros((N_EXPERTS, C), dtype=jnp.float32)
    return {"x": x, "Wr": Wr, "br": br, "We": We, "be": be}

def reference(x, Wr, br, We, be):
    b, t, c = x.shape
    n = b * t
    logits = x @ Wr + br                      # [B, T, E]
    probs = jax.nn.softmax(logits, axis=-1)
    topk_vals, topk_idx = jax.lax.top_k(probs, K)  # [B, T, K]
    x_flat = x.reshape(n, c)
    ti_flat = topk_idx.reshape(n, K)
    tv_flat = topk_vals.reshape(-1)
    # torch code indexes topk_vals.view(-1) with token row indices (< n);
    # with k == 1 this is exactly the per-token routing weight.
    w_token = tv_flat[:n]
    output = jnp.zeros_like(x_flat)
    for e in range(N_EXPERTS):
        sel = (ti_flat == e).any(axis=-1)          # tokens routed to expert e
        out_e = x_flat @ We[e] + be[e]             # expert linear on all tokens (masked)
        output = output + jnp.where(sel, w_token, 0.0)[:, None] * out_e
    importance = probs.mean(axis=(0, 1))           # [E]
    load = jnp.stack([(ti_flat == i).astype(jnp.float32).mean() for i in range(N_EXPERTS)])
    aux_loss = (importance * load).sum()
    return output.reshape(b, t, c), aux_loss

if __name__ == "__main__":
    import jax
    _d = setup_inputs()
    print(jax.jit(kernel)(*tuple(_d.values())))

</pallas_src>

<mosaic_0001>
#map = affine_map<(d0, d1) -> (0, 0)>
module attributes {stable_mosaic.version = 14 : i64} {
  func.func @collect(%arg0: i32, %arg1: i32, %arg2: memref<5888x768xf32, #tpu.memory_space<hbm>>, %arg3: memref<32x128xi32, #tpu.memory_space<hbm>>, %arg4: memref<4096x768xf32, #tpu.memory_space<hbm>>, %arg5: memref<128xi32, #tpu.memory_space<vmem>>, %arg6: memref<128x768xf32, #tpu.memory_space<vmem>>, %arg7: memref<!tpu.dma_semaphore, #tpu.memory_space<semaphore_mem>>) attributes {dimension_semantics = [#tpu.dimension_semantics<core_parallel>, #tpu.dimension_semantics<subcore_parallel>], iteration_bounds = array<i64: 2, 16>, scalar_prefetch = 0 : i64, scratch_operands = 3 : i64, tpu.core_type = #tpu.core_type<sc_vector_subcore>, window_params = [{transform_indices = #map}, {transform_indices = #map}, {transform_indices = #map}]} {
    %mul3A = arith.constant 2 : i32
    %mul3A_0 = arith.muli %arg1, %mul3A : i32
    %add3A = arith.addi %mul3A_0, %arg0 : i32
    %mul3A_1 = arith.constant 128 : i32
    %mul3A_2 = arith.muli %add3A, %mul3A_1 : i32
    "tpu.region"() ({
      %run_scoped3A = tpu.sem_alloc : memref<!tpu.dma_semaphore, #tpu.memory_space<semaphore_mem>>
      %dma_start3A_7 = arith.constant 0 : i32
      %dma_start3A_8 = tpu.memref_slice %arg3[%add3A, %dma_start3A_7] : memref<32x128xi32, #tpu.memory_space<hbm>> -> memref<1x128xi32, #tpu.memory_space<hbm>>
      %dma_start3A_9 = tpu.memref_squeeze %dma_start3A_8 : memref<1x128xi32, #tpu.memory_space<hbm>> -> memref<128xi32, #tpu.memory_space<hbm>>
      %dma_start3A_10 = arith.constant 0 : i32
      %dma_start3A_11 = tpu.memref_slice %arg3[%add3A, %dma_start3A_10] : memref<32x128xi32, #tpu.memory_space<hbm>> -> memref<1x128xi32, #tpu.memory_space<hbm>>
      %dma_start3A_12 = tpu.memref_squeeze %dma_start3A_11 : memref<1x128xi32, #tpu.memory_space<hbm>> -> memref<128xi32, #tpu.memory_space<hbm>>
      tpu.enqueue_dma source(%dma_start3A_12 : memref<128xi32, #tpu.memory_space<hbm>>) target(%arg5 : memref<128xi32, #tpu.memory_space<vmem>>) target_semaphore(%run_scoped3A : memref<!tpu.dma_semaphore, #tpu.memory_space<semaphore_mem>>)
      %dma_wait3A_13 = arith.constant 0 : i32
      %dma_wait3A_14 = tpu.memref_slice %arg3[%add3A, %dma_wait3A_13] : memref<32x128xi32, #tpu.memory_space<hbm>> -> memref<1x128xi32, #tpu.memory_space<hbm>>
      %dma_wait3A_15 = tpu.memref_squeeze %dma_wait3A_14 : memref<1x128xi32, #tpu.memory_space<hbm>> -> memref<128xi32, #tpu.memory_space<hbm>>
      %dma_wait3A_16 = arith.constant 0 : i32
      %dma_wait3A_17 = tpu.memref_slice %arg3[%add3A, %dma_wait3A_16] : memref<32x128xi32, #tpu.memory_space<hbm>> -> memref<1x128xi32, #tpu.memory_space<hbm>>
      %dma_wait3A_18 = tpu.memref_squeeze %dma_wait3A_17 : memref<1x128xi32, #tpu.memory_space<hbm>> -> memref<128xi32, #tpu.memory_space<hbm>>
      tpu.wait_dma2 semaphore(%run_scoped3A : memref<!tpu.dma_semaphore, #tpu.memory_space<semaphore_mem>>) src(%dma_wait3A_18 : memref<128xi32, #tpu.memory_space<hbm>>) dst(%arg5 : memref<128xi32, #tpu.memory_space<vmem>>)
      tpu.yield
    }) : () -> ()
    %dma_start3A = arith.constant 0 : i32
    %dma_start3A_3 = arith.constant 0 : i32
    %dma_start3A_4 = tpu.memref_slice %arg2[%dma_start3A, %dma_start3A_3] : memref<5888x768xf32, #tpu.memory_space<hbm>> -> memref<5888x768xf32, #tpu.memory_space<hbm>>
    tpu.enqueue_indirect_dma source(%dma_start3A_4 : memref<5888x768xf32, #tpu.memory_space<hbm>>) target(%arg6 : memref<128x768xf32, #tpu.memory_space<vmem>>) offsets(%arg5 : memref<128xi32, #tpu.memory_space<vmem>>) semaphore(%arg7 : memref<!tpu.dma_semaphore, #tpu.memory_space<semaphore_mem>>)
    %dma_wait3A = arith.constant 0 : i32
    %dma_wait3A_5 = arith.constant 0 : i32
    %dma_wait3A_6 = tpu.memref_slice %arg2[%dma_wait3A, %dma_wait3A_5] : memref<5888x768xf32, #tpu.memory_space<hbm>> -> memref<5888x768xf32, #tpu.memory_space<hbm>>
    tpu.wait_indirect_dma semaphore(%arg7 : memref<!tpu.dma_semaphore, #tpu.memory_space<semaphore_mem>>) src(%dma_wait3A_6 : memref<5888x768xf32, #tpu.memory_space<hbm>>) dst(%arg6 : memref<128x768xf32, #tpu.memory_space<vmem>>)
    "tpu.region"() ({
      %run_scoped3A = tpu.sem_alloc : memref<!tpu.dma_semaphore, #tpu.memory_space<semaphore_mem>>
      %dma_start3A_7 = arith.constant 0 : i32
      %dma_start3A_8 = tpu.memref_slice %arg4[%mul3A_2, %dma_start3A_7] : memref<4096x768xf32, #tpu.memory_space<hbm>> -> memref<128x768xf32, #tpu.memory_space<hbm>>
      %dma_start3A_9 = arith.constant 0 : i32
      %dma_start3A_10 = tpu.memref_slice %arg4[%mul3A_2, %dma_start3A_9] : memref<4096x768xf32, #tpu.memory_space<hbm>> -> memref<128x768xf32, #tpu.memory_space<hbm>>
      tpu.enqueue_dma source(%arg6 : memref<128x768xf32, #tpu.memory_space<vmem>>) target(%dma_start3A_10 : memref<128x768xf32, #tpu.memory_space<hbm>>) target_semaphore(%run_scoped3A : memref<!tpu.dma_semaphore, #tpu.memory_space<semaphore_mem>>)
      %dma_wait3A_11 = arith.constant 0 : i32
      %dma_wait3A_12 = tpu.memref_slice %arg4[%mul3A_2, %dma_wait3A_11] : memref<4096x768xf32, #tpu.memory_space<hbm>> -> memref<128x768xf32, #tpu.memory_space<hbm>>
      %dma_wait3A_13 = arith.constant 0 : i32
      %dma_wait3A_14 = tpu.memref_slice %arg4[%mul3A_2, %dma_wait3A_13] : memref<4096x768xf32, #tpu.memory_space<hbm>> -> memref<128x768xf32, #tpu.memory_space<hbm>>
      tpu.wait_dma2 semaphore(%run_scoped3A : memref<!tpu.dma_semaphore, #tpu.memory_space<semaphore_mem>>) src(%arg6 : memref<128x768xf32, #tpu.memory_space<vmem>>) dst(%dma_wait3A_14 : memref<128x768xf32, #tpu.memory_space<hbm>>)
      tpu.yield
    }) : () -> ()
    return
  }
}

#map = affine_map<(d0, d1) -> (0, 0)>
module attributes {stable_mosaic.version = 14 : i64} {
  func.func @dispatch(%arg0: i32, %arg1: i32, %arg2: memref<4096x768xf32, #tpu.memory_space<hbm>>, %arg3: memref<4096x128xf32, #tpu.memory_space<hbm>>, %arg4: memref<32x128xi32, #tpu.memory_space<hbm>>, %arg5: memref<5888x768xf32, #tpu.memory_space<hbm>>, %arg6: memref<5888x128xf32, #tpu.memory_space<hbm>>, %arg7: memref<128xi32, #tpu.memory_space<vmem>>, %arg8: memref<128x768xf32, #tpu.memory_space<vmem>>, %arg9: memref<128x128xf32, #tpu.memory_space<vmem>>, %arg10: memref<!tpu.dma_semaphore, #tpu.memory_space<semaphore_mem>>, %arg11: memref<!tpu.dma_semaphore, #tpu.memory_space<semaphore_mem>>) attributes {dimension_semantics = [#tpu.dimension_semantics<core_parallel>, #tpu.dimension_semantics<subcore_parallel>], iteration_bounds = array<i64: 2, 16>, scalar_prefetch = 0 : i64, scratch_operands = 5 : i64, tpu.core_type = #tpu.core_type<sc_vector_subcore>, window_params = [{transform_indices = #map}, {transform_indices = #map}, {transform_indices = #map}, {transform_indices = #map}, {transform_indices = #map}]} {
    %mul3A = arith.constant 2 : i32
    %mul3A_0 = arith.muli %arg1, %mul3A : i32
    %add3A = arith.addi %mul3A_0, %arg0 : i32
    %mul3A_1 = arith.constant 128 : i32
    %mul3A_2 = arith.muli %add3A, %mul3A_1 : i32
    "tpu.region"() ({
      %run_scoped3A = tpu.sem_alloc : memref<!tpu.dma_semaphore, #tpu.memory_space<semaphore_mem>>
      %dma_start3A_13 = arith.constant 0 : i32
      %dma_start3A_14 = tpu.memref_slice %arg4[%add3A, %dma_start3A_13] : memref<32x128xi32, #tpu.memory_space<hbm>> -> memref<1x128xi32, #tpu.memory_space<hbm>>
      %dma_start3A_15 = tpu.memref_squeeze %dma_start3A_14 : memref<1x128xi32, #tpu.memory_space<hbm>> -> memref<128xi32, #tpu.memory_space<hbm>>
      %dma_start3A_16 = arith.constant 0 : i32
      %dma_start3A_17 = tpu.memref_slice %arg4[%add3A, %dma_start3A_16] : memref<32x128xi32, #tpu.memory_space<hbm>> -> memref<1x128xi32, #tpu.memory_space<hbm>>
      %dma_start3A_18 = tpu.memref_squeeze %dma_start3A_17 : memref<1x128xi32, #tpu.memory_space<hbm>> -> memref<128xi32, #tpu.memory_space<hbm>>
      tpu.enqueue_dma source(%dma_start3A_18 : memref<128xi32, #tpu.memory_space<hbm>>) target(%arg7 : memref<128xi32, #tpu.memory_space<vmem>>) target_semaphore(%run_scoped3A : memref<!tpu.dma_semaphore, #tpu.memory_space<semaphore_mem>>)
      %dma_wait3A_19 = arith.constant 0 : i32
      %dma_wait3A_20 = tpu.memref_slice %arg4[%add3A, %dma_wait3A_19] : memref<32x128xi32, #tpu.memory_space<hbm>> -> memref<1x128xi32, #tpu.memory_space<hbm>>
      %dma_wait3A_21 = tpu.memref_squeeze %dma_wait3A_20 : memref<1x128xi32, #tpu.memory_space<hbm>> -> memref<128xi32, #tpu.memory_space<hbm>>
      %dma_wait3A_22 = arith.constant 0 : i32
      %dma_wait3A_23 = tpu.memref_slice %arg4[%add3A, %dma_wait3A_22] : memref<32x128xi32, #tpu.memory_space<hbm>> -> memref<1x128xi32, #tpu.memory_space<hbm>>
      %dma_wait3A_24 = tpu.memref_squeeze %dma_wait3A_23 : memref<1x128xi32, #tpu.memory_space<hbm>> -> memref<128xi32, #tpu.memory_space<hbm>>
      tpu.wait_dma2 semaphore(%run_scoped3A : memref<!tpu.dma_semaphore, #tpu.memory_space<semaphore_mem>>) src(%dma_wait3A_24 : memref<128xi32, #tpu.memory_space<hbm>>) dst(%arg7 : memref<128xi32, #tpu.memory_space<vmem>>)
      tpu.yield
    }) : () -> ()
    "tpu.region"() ({
      %run_scoped3A = tpu.sem_alloc : memref<!tpu.dma_semaphore, #tpu.memory_space<semaphore_mem>>
      %dma_start3A_13 = arith.constant 0 : i32
      %dma_start3A_14 = tpu.memref_slice %arg2[%mul3A_2, %dma_start3A_13] : memref<4096x768xf32, #tpu.memory_space<hbm>> -> memref<128x768xf32, #tpu.memory_space<hbm>>
      %dma_start3A_15 = arith.constant 0 : i32
      %dma_start3A_16 = tpu.memref_slice %arg2[%mul3A_2, %dma_start3A_15] : memref<4096x768xf32, #tpu.memory_space<hbm>> -> memref<128x768xf32, #tpu.memory_space<hbm>>
      tpu.enqueue_dma source(%dma_start3A_16 : memref<128x768xf32, #tpu.memory_space<hbm>>) target(%arg8 : memref<128x768xf32, #tpu.memory_space<vmem>>) target_semaphore(%run_scoped3A : memref<!tpu.dma_semaphore, #tpu.memory_space<semaphore_mem>>)
      %dma_wait3A_17 = arith.constant 0 : i32
      %dma_wait3A_18 = tpu.memref_slice %arg2[%mul3A_2, %dma_wait3A_17] : memref<4096x768xf32, #tpu.memory_space<hbm>> -> memref<128x768xf32, #tpu.memory_space<hbm>>
      %dma_wait3A_19 = arith.constant 0 : i32
      %dma_wait3A_20 = tpu.memref_slice %arg2[%mul3A_2, %dma_wait3A_19] : memref<4096x768xf32, #tpu.memory_space<hbm>> -> memref<128x768xf32, #tpu.memory_space<hbm>>
      tpu.wait_dma2 semaphore(%run_scoped3A : memref<!tpu.dma_semaphore, #tpu.memory_space<semaphore_mem>>) src(%dma_wait3A_20 : memref<128x768xf32, #tpu.memory_space<hbm>>) dst(%arg8 : memref<128x768xf32, #tpu.memory_space<vmem>>)
      tpu.yield
    }) : () -> ()
    "tpu.region"() ({
      %run_scoped3A = tpu.sem_alloc : memref<!tpu.dma_semaphore, #tpu.memory_space<semaphore_mem>>
      %dma_start3A_13 = arith.constant 0 : i32
      %dma_start3A_14 = tpu.memref_slice %arg3[%mul3A_2, %dma_start3A_13] : memref<4096x128xf32, #tpu.memory_space<hbm>> -> memref<128x128xf32, #tpu.memory_space<hbm>>
      %dma_start3A_15 = arith.constant 0 : i32
      %dma_start3A_16 = tpu.memref_slice %arg3[%mul3A_2, %dma_start3A_15] : memref<4096x128xf32, #tpu.memory_space<hbm>> -> memref<128x128xf32, #tpu.memory_space<hbm>>
      tpu.enqueue_dma source(%dma_start3A_16 : memref<128x128xf32, #tpu.memory_space<hbm>>) target(%arg9 : memref<128x128xf32, #tpu.memory_space<vmem>>) target_semaphore(%run_scoped3A : memref<!tpu.dma_semaphore, #tpu.memory_space<semaphore_mem>>)
      %dma_wait3A_17 = arith.constant 0 : i32
      %dma_wait3A_18 = tpu.memref_slice %arg3[%mul3A_2, %dma_wait3A_17] : memref<4096x128xf32, #tpu.memory_space<hbm>> -> memref<128x128xf32, #tpu.memory_space<hbm>>
      %dma_wait3A_19 = arith.constant 0 : i32
      %dma_wait3A_20 = tpu.memref_slice %arg3[%mul3A_2, %dma_wait3A_19] : memref<4096x128xf32, #tpu.memory_space<hbm>> -> memref<128x128xf32, #tpu.memory_space<hbm>>
      tpu.wait_dma2 semaphore(%run_scoped3A : memref<!tpu.dma_semaphore, #tpu.memory_space<semaphore_mem>>) src(%dma_wait3A_20 : memref<128x128xf32, #tpu.memory_space<hbm>>) dst(%arg9 : memref<128x128xf32, #tpu.memory_space<vmem>>)
      tpu.yield
    }) : () -> ()
    %dma_start3A = arith.constant 0 : i32
    %dma_start3A_3 = arith.constant 0 : i32
    %dma_start3A_4 = tpu.memref_slice %arg5[%dma_start3A, %dma_start3A_3] : memref<5888x768xf32, #tpu.memory_space<hbm>> -> memref<5888x768xf32, #tpu.memory_space<hbm>>
    tpu.enqueue_indirect_dma source(%arg8 : memref<128x768xf32, #tpu.memory_space<vmem>>) target(%dma_start3A_4 : memref<5888x768xf32, #tpu.memory_space<hbm>>) offsets(%arg7 : memref<128xi32, #tpu.memory_space<vmem>>) semaphore(%arg10 : memref<!tpu.dma_semaphore, #tpu.memory_space<semaphore_mem>>)
    %dma_start3A_5 = arith.constant 0 : i32
    %dma_start3A_6 = arith.constant 0 : i32
    %dma_start3A_7 = tpu.memref_slice %arg6[%dma_start3A_5, %dma_start3A_6] : memref<5888x128xf32, #tpu.memory_space<hbm>> -> memref<5888x128xf32, #tpu.memory_space<hbm>>
    tpu.enqueue_indirect_dma source(%arg9 : memref<128x128xf32, #tpu.memory_space<vmem>>) target(%dma_start3A_7 : memref<5888x128xf32, #tpu.memory_space<hbm>>) offsets(%arg7 : memref<128xi32, #tpu.memory_space<vmem>>) semaphore(%arg11 : memref<!tpu.dma_semaphore, #tpu.memory_space<semaphore_mem>>)
    %dma_wait3A = arith.constant 0 : i32
    %dma_wait3A_8 = arith.constant 0 : i32
    %dma_wait3A_9 = tpu.memref_slice %arg5[%dma_wait3A, %dma_wait3A_8] : memref<5888x768xf32, #tpu.memory_space<hbm>> -> memref<5888x768xf32, #tpu.memory_space<hbm>>
    tpu.wait_indirect_dma semaphore(%arg10 : memref<!tpu.dma_semaphore, #tpu.memory_space<semaphore_mem>>) src(%arg8 : memref<128x768xf32, #tpu.memory_space<vmem>>) dst(%dma_wait3A_9 : memref<5888x768xf32, #tpu.memory_space<hbm>>)
    %dma_wait3A_10 = arith.constant 0 : i32
    %dma_wait3A_11 = arith.constant 0 : i32
    %dma_wait3A_12 = tpu.memref_slice %arg6[%dma_wait3A_10, %dma_wait3A_11] : memref<5888x128xf32, #tpu.memory_space<hbm>> -> memref<5888x128xf32, #tpu.memory_space<hbm>>
    tpu.wait_indirect_dma semaphore(%arg11 : memref<!tpu.dma_semaphore, #tpu.memory_space<semaphore_mem>>) src(%arg9 : memref<128x128xf32, #tpu.memory_space<vmem>>) dst(%dma_wait3A_12 : memref<5888x128xf32, #tpu.memory_space<hbm>>)
    return
  }
}

module attributes {stable_mosaic.version = 14 : i64} {
  func.func @_router_body(%arg0: memref<4096x768xf32, #tpu.memory_space<vmem>>, %arg1: memref<768x8xf32, #tpu.memory_space<vmem>>, %arg2: memref<1x8xf32, #tpu.memory_space<vmem>>, %arg3: memref<32x128xi32, #tpu.memory_space<vmem>>, %arg4: memref<1x23xi32, #tpu.memory_space<vmem>>, %arg5: memref<4096x128xf32, #tpu.memory_space<vmem>>, %arg6: memref<1x1xf32, #tpu.memory_space<vmem>>) attributes {dimension_semantics = [], scalar_prefetch = 0 : i64, scratch_operands = 0 : i64, tpu.core_type = #tpu.core_type<tc>} {
    %get3A = arith.constant 0 : index
    %get3A_0 = arith.constant 0 : index
    %get3A_1 = vector.load %arg0[%get3A, %get3A_0] : memref<4096x768xf32, #tpu.memory_space<vmem>>, vector<4096x768xf32>
    %get3A_2 = arith.constant 0 : index
    %get3A_3 = arith.constant 0 : index
    %get3A_4 = vector.load %arg1[%get3A_2, %get3A_3] : memref<768x8xf32, #tpu.memory_space<vmem>>, vector<768x8xf32>
    %dot_general3A = arith.constant dense<0.000000e+00> : vector<4096x8xf32>
    %dot_general3A_5 = tpu.matmul %get3A_1, %get3A_4, %dot_general3A {dimension_numbers = #tpu.dot_dimension_numbers<[1], [0], [0], [1], [0, 0, 1, 1], [], []>, transpose_lhs_hint = false} : vector<4096x768xf32>, vector<768x8xf32>, vector<4096x8xf32> -> vector<4096x8xf32>
    %get3A_6 = arith.constant 0 : index
    %get3A_7 = arith.constant 0 : index
    %get3A_8 = vector.load %arg2[%get3A_6, %get3A_7] : memref<1x8xf32, #tpu.memory_space<vmem>>, vector<1x8xf32>
    %add3A = vector.broadcast %get3A_8 : vector<1x8xf32> to vector<4096x8xf32>
    %add3A_9 = arith.addf %dot_general3A_5, %add3A : vector<4096x8xf32>
    %reduce_max3A = arith.constant dense<0xFF800000> : vector<4096xf32>
    %reduce_max3A_10 = vector.multi_reduction <maximumf>, %add3A_9, %reduce_max3A [1] : vector<4096x8xf32> to vector<4096xf32>
    %broadcast_in_dim3A = vector.shape_cast %reduce_max3A_10 : vector<4096xf32> to vector<4096x1xf32>
    %sub3A = vector.broadcast %broadcast_in_dim3A : vector<4096x1xf32> to vector<4096x8xf32>
    %sub3A_11 = arith.subf %add3A_9, %sub3A : vector<4096x8xf32>
    %exp3A = math.exp %sub3A_11 : vector<4096x8xf32>
    %reduce_sum3A = arith.constant dense<0.000000e+00> : vector<4096xf32>
    %reduce_sum3A_12 = vector.multi_reduction <add>, %exp3A, %reduce_sum3A [1] : vector<4096x8xf32> to vector<4096xf32>
    %broadcast_in_dim3A_13 = vector.shape_cast %reduce_sum3A_12 : vector<4096xf32> to vector<4096x1xf32>
    %div3A = arith.constant 1.000000e+00 : f32
    %div3A_14 = vector.broadcast %div3A : f32 to vector<4096x1xf32>
    %div3A_15 = arith.divf %div3A_14, %broadcast_in_dim3A_13 : vector<4096x1xf32>
    %mul3A = vector.broadcast %div3A_15 : vector<4096x1xf32> to vector<4096x8xf32>
    %mul3A_16 = arith.mulf %exp3A, %mul3A : vector<4096x8xf32>
    %eq3A = vector.broadcast %broadcast_in_dim3A : vector<4096x1xf32> to vector<4096x8xf32>
    %eq3A_17 = arith.cmpf oeq, %add3A_9, %eq3A : vector<4096x8xf32>
    %convert_element_type3A = arith.extui %eq3A_17 : vector<4096x8xi1> to vector<4096x8xi32>
    %convert_element_type3A_18 = arith.sitofp %convert_element_type3A : vector<4096x8xi32> to vector<4096x8xf32>
    %iota3A = tpu.iota {dimensions = array<i32: 0>} : vector<8x8xi32>
    %iota3A_19 = tpu.iota {dimensions = array<i32: 1>} : vector<8x8xi32>
    %lt3A = arith.cmpi slt, %iota3A, %iota3A_19 : vector<8x8xi32>
    %convert_element_type3A_20 = arith.extui %lt3A : vector<8x8xi1> to vector<8x8xi32>
    %convert_element_type3A_21 = arith.sitofp %convert_element_type3A_20 : vector<8x8xi32> to vector<8x8xf32>
    %dot_general3A_22 = arith.constant dense<0.000000e+00> : vector<4096x8xf32>
    %dot_general3A_23 = tpu.matmul %convert_element_type3A_18, %convert_element_type3A_21, %dot_general3A_22 {dimension_numbers = #tpu.dot_dimension_numbers<[1], [0], [0], [1], [0, 0, 1, 1], [], []>, transpose_lhs_hint = false} : vector<4096x8xf32>, vector<8x8xf32>, vector<4096x8xf32> -> vector<4096x8xf32>
    %eq3A_24 = arith.constant 0.000000e+00 : f32
    %eq3A_25 = vector.broadcast %eq3A_24 : f32 to vector<4096x8xf32>
    %eq3A_26 = arith.cmpf oeq, %dot_general3A_23, %eq3A_25 : vector<4096x8xf32>
    %convert_element_type3A_27 = arith.extui %eq3A_26 : vector<4096x8xi1> to vector<4096x8xi32>
    %convert_element_type3A_28 = arith.sitofp %convert_element_type3A_27 : vector<4096x8xi32> to vector<4096x8xf32>
    %mul3A_29 = arith.mulf %convert_element_type3A_18, %convert_element_type3A_28 : vector<4096x8xf32>
    %reduce_sum3A_30 = arith.constant dense<0.000000e+00> : vector<8xf32>
    %reduce_sum3A_31 = vector.multi_reduction <add>, %mul3A_16, %reduce_sum3A_30 [0] : vector<4096x8xf32> to vector<8xf32>
    %broadcast_in_dim3A_32 = vector.shape_cast %reduce_sum3A_31 : vector<8xf32> to vector<1x8xf32>
    %mul3A_33 = arith.constant 2.44140625E-4 : f32
    %mul3A_34 = vector.broadcast %mul3A_33 : f32 to vector<1x8xf32>
    %mul3A_35 = arith.mulf %broadcast_in_dim3A_32, %mul3A_34 : vector<1x8xf32>
    %reduce_sum3A_36 = arith.constant dense<0.000000e+00> : vector<8xf32>
    %reduce_sum3A_37 = vector.multi_reduction <add>, %mul3A_29, %reduce_sum3A_36 [0] : vector<4096x8xf32> to vector<8xf32>
    %broadcast_in_dim3A_38 = vector.shape_cast %reduce_sum3A_37 : vector<8xf32> to vector<1x8xf32>
    %mul3A_39 = arith.constant 2.44140625E-4 : f32
    %mul3A_40 = vector.broadcast %mul3A_39 : f32 to vector<1x8xf32>
    %mul3A_41 = arith.mulf %broadcast_in_dim3A_38, %mul3A_40 : vector<1x8xf32>
    %mul3A_42 = arith.mulf %mul3A_35, %mul3A_41 : vector<1x8xf32>
    %reduce_sum3A_43 = vector.shape_cast %mul3A_42 : vector<1x8xf32> to vector<1x1x8xf32>
    %reduce_sum3A_44 = arith.constant dense<0.000000e+00> : vector<1xf32>
    %reduce_sum3A_45 = vector.multi_reduction <add>, %reduce_sum3A_43, %reduce_sum3A_44 [1, 2] : vector<1x1x8xf32> to vector<1xf32>
    %reduce_sum3A_46 = vector.shape_cast %reduce_sum3A_45 : vector<1xf32> to vector<1x1x1xf32>
    %reduce_sum3A_47 = vector.extract %reduce_sum3A_46[0, 0, 0] : f32 from vector<1x1x1xf32>
    %broadcast_in_dim3A_48 = vector.broadcast %reduce_sum3A_47 : f32 to vector<1x1xf32>
    %swap3A = arith.constant 0 : index
    %swap3A_49 = arith.constant 0 : index
    %swap3A_50 = vector.load %arg6[%swap3A, %swap3A_49] : memref<1x1xf32, #tpu.memory_space<vmem>>, vector<1x1xf32>
    tpu.vector_store %arg6[%swap3A, %swap3A_49], %broadcast_in_dim3A_48 {strides = array<i32>} : memref<1x1xf32, #tpu.memory_space<vmem>>, vector<1x1xf32>,
    %broadcast_in_dim3A_51 = vector.shape_cast %div3A_15 : vector<4096x1xf32> to vector<4096x1xf32>
    %broadcast_in_dim3A_52 = vector.broadcast %broadcast_in_dim3A_51 : vector<4096x1xf32> to vector<4096x128xf32>
    %swap3A_53 = arith.constant 0 : index
    %swap3A_54 = arith.constant 0 : index
    %swap3A_55 = vector.load %arg5[%swap3A_53, %swap3A_54] : memref<4096x128xf32, #tpu.memory_space<vmem>>, vector<4096x128xf32>
    tpu.vector_store %arg5[%swap3A_53, %swap3A_54], %broadcast_in_dim3A_52 {strides = array<i32>} : memref<4096x128xf32, #tpu.memory_space<vmem>>, vector<4096x128xf32>,
    %reshape3A = vector.shape_cast %mul3A_29 : vector<4096x8xf32> to vector<32x128x8xf32>
    %iota3A_56 = tpu.iota {dimensions = array<i32: 0>} : vector<128x128xi32>
    %iota3A_57 = tpu.iota {dimensions = array<i32: 1>} : vector<128x128xi32>
    %gt3A = arith.cmpi sgt, %iota3A_56, %iota3A_57 : vector<128x128xi32>
    %convert_element_type3A_58 = arith.extui %gt3A : vector<128x128xi1> to vector<128x128xi32>
    %convert_element_type3A_59 = arith.sitofp %convert_element_type3A_58 : vector<128x128xi32> to vector<128x128xf32>
    %broadcast_in_dim3A_60 = vector.shape_cast %convert_element_type3A_59 : vector<128x128xf32> to vector<1x128x128xf32>
    %broadcast_in_dim3A_61 = vector.shape_cast %broadcast_in_dim3A_60 : vector<1x128x128xf32> to vector<1x128x128xf32>
    %broadcast_in_dim3A_62 = vector.broadcast %broadcast_in_dim3A_61 : vector<1x128x128xf32> to vector<32x128x128xf32>
    %dot_general3A_63 = arith.constant dense<0.000000e+00> : vector<32x128x8xf32>
    %dot_general3A_64 = tpu.matmul %broadcast_in_dim3A_62, %reshape3A, %dot_general3A_63 {dimension_numbers = #tpu.dot_dimension_numbers<[2], [1], [1], [2], [0, 0, 0, 1, 1, 2], [0], [0]>, transpose_lhs_hint = false} : vector<32x128x128xf32>, vector<32x128x8xf32>, vector<32x128x8xf32> -> vector<32x128x8xf32>
    %broadcast_in_dim3A_65 = arith.constant 1.000000e+00 : f32
    %broadcast_in_dim3A_66 = vector.broadcast %broadcast_in_dim3A_65 : f32 to vector<32x1x128xf32>
    %dot_general3A_67 = arith.constant dense<0.000000e+00> : vector<32x1x8xf32>
    %dot_general3A_68 = tpu.matmul %broadcast_in_dim3A_66, %reshape3A, %dot_general3A_67 {dimension_numbers = #tpu.dot_dimension_numbers<[2], [1], [1], [2], [0, 0, 0, 1, 1, 2], [0], [0]>, transpose_lhs_hint = false} : vector<32x1x128xf32>, vector<32x128x8xf32>, vector<32x1x8xf32> -> vector<32x1x8xf32>
    %reshape3A_69 = vector.shape_cast %dot_general3A_68 : vector<32x1x8xf32> to vector<32x8xf32>
    %iota3A_70 = tpu.iota {dimensions = array<i32: 0>} : vector<32x32xi32>
    %iota3A_71 = tpu.iota {dimensions = array<i32: 1>} : vector<32x32xi32>
    %gt3A_72 = arith.cmpi sgt, %iota3A_70, %iota3A_71 : vector<32x32xi32>
    %convert_element_type3A_73 = arith.extui %gt3A_72 : vector<32x32xi1> to vector<32x32xi32>
    %convert_element_type3A_74 = arith.sitofp %convert_element_type3A_73 : vector<32x32xi32> to vector<32x32xf32>
    %dot_general3A_75 = arith.constant dense<0.000000e+00> : vector<32x8xf32>
    %dot_general3A_76 = tpu.matmul %convert_element_type3A_74, %reshape3A_69, %dot_general3A_75 {dimension_numbers = #tpu.dot_dimension_numbers<[1], [0], [0], [1], [0, 0, 1, 1], [], []>, transpose_lhs_hint = false} : vector<32x32xf32>, vector<32x8xf32>, vector<32x8xf32> -> vector<32x8xf32>
    %reduce_sum3A_77 = arith.constant dense<0.000000e+00> : vector<8xf32>
    %reduce_sum3A_78 = vector.multi_reduction <add>, %reshape3A_69, %reduce_sum3A_77 [0] : vector<32x8xf32> to vector<8xf32>
    %broadcast_in_dim3A_79 = vector.shape_cast %reduce_sum3A_78 : vector<8xf32> to vector<1x8xf32>
    %convert_element_type3A_80 = arith.fptosi %broadcast_in_dim3A_79 : vector<1x8xf32> to vector<1x8xi32>
    %add3A_81 = arith.constant 255 : i32
    %add3A_82 = vector.broadcast %add3A_81 : i32 to vector<1x8xi32>
    %add3A_83 = arith.addi %convert_element_type3A_80, %add3A_82 : vector<1x8xi32>
    %jit3A = arith.constant 256 : i32
    %div3A_84 = vector.broadcast %jit3A : i32 to vector<1x8xi32>
    %div3A_85 = arith.divsi %add3A_83, %div3A_84 : vector<1x8xi32>
    %sign3A = arith.constant 0 : i32
    %sign3A_86 = vector.broadcast %sign3A : i32 to vector<1x8xi32>
    %sign3A_87 = arith.cmpi sgt, %add3A_83, %sign3A_86 : vector<1x8xi32>
    %sign3A_88 = arith.extui %sign3A_87 : vector<1x8xi1> to vector<1x8xi32>
    %sign3A_89 = arith.constant 0 : i32
    %sign3A_90 = vector.broadcast %sign3A_89 : i32 to vector<1x8xi32>
    %sign3A_91 = arith.cmpi slt, %add3A_83, %sign3A_90 : vector<1x8xi32>
    %sign3A_92 = arith.extui %sign3A_91 : vector<1x8xi1> to vector<1x8xi32>
    %sign3A_93 = arith.subi %sign3A_88, %sign3A_92 : vector<1x8xi32>
    %sign3A_94 = arith.constant 0 : i32
    %sign3A_95 = arith.cmpi sgt, %jit3A, %sign3A_94 : i32
    %sign3A_96 = arith.extui %sign3A_95 : i1 to i32
    %sign3A_97 = arith.constant 0 : i32
    %sign3A_98 = arith.cmpi slt, %jit3A, %sign3A_97 : i32
    %sign3A_99 = arith.extui %sign3A_98 : i1 to i32
    %sign3A_100 = arith.subi %sign3A_96, %sign3A_99 : i32
    %ne3A = vector.broadcast %sign3A_100 : i32 to vector<1x8xi32>
    %ne3A_101 = arith.cmpi ne, %sign3A_93, %ne3A : vector<1x8xi32>
    %rem3A = vector.broadcast %jit3A : i32 to vector<1x8xi32>
    %rem3A_102 = arith.remsi %add3A_83, %rem3A : vector<1x8xi32>
    %ne3A_103 = arith.constant 0 : i32
    %ne3A_104 = vector.broadcast %ne3A_103 : i32 to vector<1x8xi32>
    %ne3A_105 = arith.cmpi ne, %rem3A_102, %ne3A_104 : vector<1x8xi32>
    %and3A = arith.andi %ne3A_101, %ne3A_105 : vector<1x8xi1>
    %sub3A_106 = arith.constant 1 : i32
    %sub3A_107 = vector.broadcast %sub3A_106 : i32 to vector<1x8xi32>
    %sub3A_108 = arith.subi %div3A_85, %sub3A_107 : vector<1x8xi32>
    %select_n3A = arith.select %and3A, %sub3A_108, %div3A_85 : vector<1x8xi1>, vector<1x8xi32>
    %mul3A_109 = arith.constant 256 : i32
    %mul3A_110 = vector.broadcast %mul3A_109 : i32 to vector<1x8xi32>
    %mul3A_111 = arith.muli %select_n3A, %mul3A_110 : vector<1x8xi32>
    %convert_element_type3A_112 = arith.sitofp %mul3A_111 : vector<1x8xi32> to vector<1x8xf32>
    %dot_general3A_113 = arith.constant dense<0.000000e+00> : vector<1x8xf32>
    %dot_general3A_114 = tpu.matmul %convert_element_type3A_112, %convert_element_type3A_21, %dot_general3A_113 {dimension_numbers = #tpu.dot_dimension_numbers<[1], [0], [0], [1], [0, 0, 1, 1], [], []>, transpose_lhs_hint = false} : vector<1x8xf32>, vector<8x8xf32>, vector<1x8xf32> -> vector<1x8xf32>
    %broadcast_in_dim3A_115 = vector.shape_cast %dot_general3A_76 : vector<32x8xf32> to vector<32x1x8xf32>
    %add3A_116 = vector.broadcast %broadcast_in_dim3A_115 : vector<32x1x8xf32> to vector<32x128x8xf32>
    %add3A_117 = arith.addf %dot_general3A_64, %add3A_116 : vector<32x128x8xf32>
    %reshape3A_118 = vector.shape_cast %dot_general3A_114 : vector<1x8xf32> to vector<1x1x8xf32>
    %add3A_119 = vector.broadcast %reshape3A_118 : vector<1x1x8xf32> to vector<32x128x8xf32>
    %add3A_120 = arith.addf %add3A_117, %add3A_119 : vector<32x128x8xf32>
    %mul3A_121 = arith.mulf %reshape3A, %add3A_120 : vector<32x128x8xf32>
    %reduce_sum3A_122 = arith.constant dense<0.000000e+00> : vector<32x128xf32>
    %reduce_sum3A_123 = vector.multi_reduction <add>, %mul3A_121, %reduce_sum3A_122 [2] : vector<32x128x8xf32> to vector<32x128xf32>
    %convert_element_type3A_124 = arith.fptosi %reduce_sum3A_123 : vector<32x128xf32> to vector<32x128xi32>
    %swap3A_125 = arith.constant 0 : index
    %swap3A_126 = arith.constant 0 : index
    %swap3A_127 = vector.load %arg3[%swap3A_125, %swap3A_126] : memref<32x128xi32, #tpu.memory_space<vmem>>, vector<32x128xi32>
    tpu.vector_store %arg3[%swap3A_125, %swap3A_126], %convert_element_type3A_124 {strides = array<i32>} : memref<32x128xi32, #tpu.memory_space<vmem>>, vector<32x128xi32>,
    %convert_element_type3A_128 = arith.fptosi %dot_general3A_114 : vector<1x8xf32> to vector<1x8xi32>
    %add3A_129 = arith.addi %convert_element_type3A_128, %mul3A_111 : vector<1x8xi32>
    %jit3A_130 = arith.constant 256 : i32
    %div3A_131 = vector.broadcast %jit3A_130 : i32 to vector<1x8xi32>
    %div3A_132 = arith.divsi %add3A_129, %div3A_131 : vector<1x8xi32>
    %sign3A_133 = arith.constant 0 : i32
    %sign3A_134 = vector.broadcast %sign3A_133 : i32 to vector<1x8xi32>
    %sign3A_135 = arith.cmpi sgt, %add3A_129, %sign3A_134 : vector<1x8xi32>
    %sign3A_136 = arith.extui %sign3A_135 : vector<1x8xi1> to vector<1x8xi32>
    %sign3A_137 = arith.constant 0 : i32
    %sign3A_138 = vector.broadcast %sign3A_137 : i32 to vector<1x8xi32>
    %sign3A_139 = arith.cmpi slt, %add3A_129, %sign3A_138 : vector<1x8xi32>
    %sign3A_140 = arith.extui %sign3A_139 : vector<1x8xi1> to vector<1x8xi32>
    %sign3A_141 = arith.subi %sign3A_136, %sign3A_140 : vector<1x8xi32>
    %sign3A_142 = arith.constant 0 : i32
    %sign3A_143 = arith.cmpi sgt, %jit3A_130, %sign3A_142 : i32
    %sign3A_144 = arith.extui %sign3A_143 : i1 to i32
    %sign3A_145 = arith.constant 0 : i32
    %sign3A_146 = arith.cmpi slt, %jit3A_130, %sign3A_145 : i32
    %sign3A_147 = arith.extui %sign3A_146 : i1 to i32
    %sign3A_148 = arith.subi %sign3A_144, %sign3A_147 : i32
    %ne3A_149 = vector.broadcast %sign3A_148 : i32 to vector<1x8xi32>
    %ne3A_150 = arith.cmpi ne, %sign3A_141, %ne3A_149 : vector<1x8xi32>
    %rem3A_151 = vector.broadcast %jit3A_130 : i32 to vector<1x8xi32>
    %rem3A_152 = arith.remsi %add3A_129, %rem3A_151 : vector<1x8xi32>
    %ne3A_153 = arith.constant 0 : i32
    %ne3A_154 = vector.broadcast %ne3A_153 : i32 to vector<1x8xi32>
    %ne3A_155 = arith.cmpi ne, %rem3A_152, %ne3A_154 : vector<1x8xi32>
    %and3A_156 = arith.andi %ne3A_150, %ne3A_155 : vector<1x8xi1>
    %sub3A_157 = arith.constant 1 : i32
    %sub3A_158 = vector.broadcast %sub3A_157 : i32 to vector<1x8xi32>
    %sub3A_159 = arith.subi %div3A_132, %sub3A_158 : vector<1x8xi32>
    %select_n3A_160 = arith.select %and3A_156, %sub3A_159, %div3A_132 : vector<1x8xi1>, vector<1x8xi32>
    %iota3A_161 = tpu.iota {dimensions = array<i32: 0>} : vector<23x8xi32>
    %broadcast_in_dim3A_162 = vector.shape_cast %select_n3A_160 : vector<1x8xi32> to vector<1x8xi32>
    %broadcast_in_dim3A_163 = vector.broadcast %broadcast_in_dim3A_162 : vector<1x8xi32> to vector<23x8xi32>
    %ge3A = arith.cmpi sge, %iota3A_161, %broadcast_in_dim3A_163 : vector<23x8xi32>
    %convert_element_type3A_164 = arith.extui %ge3A : vector<23x8xi1> to vector<23x8xi32>
    %reduce_sum3A_165 = arith.constant dense<0> : vector<23xi32>
    %reduce_sum3A_166 = vector.multi_reduction <add>, %convert_element_type3A_164, %reduce_sum3A_165 [1] : vector<23x8xi32> to vector<23xi32>
    %min3A = arith.constant 7 : i32
    %min3A_167 = vector.broadcast %min3A : i32 to vector<23xi32>
    %min3A_168 = arith.minsi %reduce_sum3A_166, %min3A_167 : vector<23xi32>
    %reshape3A_169 = vector.shape_cast %min3A_168 : vector<23xi32> to vector<1x23xi32>
    %swap3A_170 = arith.constant 0 : index
    %swap3A_171 = arith.constant 0 : index
    %swap3A_172 = vector.load %arg4[%swap3A_170, %swap3A_171] : memref<1x23xi32, #tpu.memory_space<vmem>>, vector<1x23xi32>
    tpu.vector_store %arg4[%swap3A_170, %swap3A_171], %reshape3A_169 {strides = array<i32>} : memref<1x23xi32, #tpu.memory_space<vmem>>, vector<1x23xi32>,
    return
  }
}

module attributes {stable_mosaic.version = 14 : i64} {
  func.func @_expert_body(%arg0: i32, %arg1: memref<23xi32, #tpu.memory_space<smem>>, %arg2: memref<256x768xf32, #tpu.memory_space<vmem>>, %arg3: memref<256x128xf32, #tpu.memory_space<vmem>>, %arg4: memref<1x768x768xf32, #tpu.memory_space<vmem>>, %arg5: memref<1x1x768xf32, #tpu.memory_space<vmem>>, %arg6: memref<256x768xf32, #tpu.memory_space<vmem>>) attributes {dimension_semantics = [#tpu.dimension_semantics<arbitrary>], iteration_bounds = array<i64: 23>, scalar_prefetch = 1 : i64, scratch_operands = 0 : i64, tpu.core_type = #tpu.core_type<tc>, window_params = [{transform_indices = @transform_0, window_bounds = array<i64: 256, 768>}, {transform_indices = @transform_1, window_bounds = array<i64: 256, 128>}, {transform_indices = @transform_2, window_bounds = array<i64: 1, 768, 768>}, {transform_indices = @transform_3, window_bounds = array<i64: 1, 1, 768>}, {transform_indices = @transform_4, window_bounds = array<i64: 256, 768>}]} {
    %get3A = arith.constant 0 : index
    %get3A_0 = arith.constant 0 : index
    %get3A_1 = vector.load %arg2[%get3A, %get3A_0] : memref<256x768xf32, #tpu.memory_space<vmem>>, vector<256x768xf32>
    %convert_element_type3A = arith.truncf %get3A_1 : vector<256x768xf32> to vector<256x768xbf16>
    %get3A_2 = arith.constant 0 : index
    %get3A_3 = arith.constant 0 : index
    %get3A_4 = arith.constant 0 : index
    %get3A_5 = vector.load %arg4[%get3A_2, %get3A_3, %get3A_4] : memref<1x768x768xf32, #tpu.memory_space<vmem>>, vector<1x768x768xf32>
    %get3A_6 = vector.shape_cast %get3A_5 : vector<1x768x768xf32> to vector<768x768xf32>
    %convert_element_type3A_7 = arith.truncf %get3A_6 : vector<768x768xf32> to vector<768x768xbf16>
    %dot_general3A = arith.constant dense<0.000000e+00> : vector<256x768xf32>
    %dot_general3A_8 = tpu.matmul %convert_element_type3A, %convert_element_type3A_7, %dot_general3A {dimension_numbers = #tpu.dot_dimension_numbers<[1], [0], [0], [1], [0, 0, 1, 1], [], []>, transpose_lhs_hint = false} : vector<256x768xbf16>, vector<768x768xbf16>, vector<256x768xf32> -> vector<256x768xf32>
    %get3A_9 = arith.constant 0 : index
    %get3A_10 = arith.constant 0 : index
    %get3A_11 = arith.constant 0 : index
    %get3A_12 = vector.load %arg5[%get3A_9, %get3A_10, %get3A_11] : memref<1x1x768xf32, #tpu.memory_space<vmem>>, vector<1x1x768xf32>
    %get3A_13 = vector.shape_cast %get3A_12 : vector<1x1x768xf32> to vector<1x768xf32>
    %add3A = vector.broadcast %get3A_13 : vector<1x768xf32> to vector<256x768xf32>
    %add3A_14 = arith.addf %dot_general3A_8, %add3A : vector<256x768xf32>
    %get3A_15 = arith.constant 0 : index
    %get3A_16 = arith.constant 0 : index
    %get3A_17 = vector.load %arg3[%get3A_15, %get3A_16] : memref<256x128xf32, #tpu.memory_space<vmem>>, vector<256x1xf32>
    %mul3A = vector.broadcast %get3A_17 : vector<256x1xf32> to vector<256x768xf32>
    %mul3A_18 = arith.mulf %add3A_14, %mul3A : vector<256x768xf32>
    %swap3A = arith.constant 0 : index
    %swap3A_19 = arith.constant 0 : index
    %swap3A_20 = vector.load %arg6[%swap3A, %swap3A_19] : memref<256x768xf32, #tpu.memory_space<vmem>>, vector<256x768xf32>
    tpu.vector_store %arg6[%swap3A, %swap3A_19], %mul3A_18 {strides = array<i32>} : memref<256x768xf32, #tpu.memory_space<vmem>>, vector<256x768xf32>,
    return
  }
  func.func @transform_0(%arg0: i32, %arg1: memref<23xi32, #tpu.memory_space<smem>>) -> (i32, i32) {
    %c0_i32 = arith.constant 0 : i32
    %c0_i32_0 = arith.constant 0 : i32
    return %arg0, %c0_i32 : i32, i32
  }
  func.func @transform_1(%arg0: i32, %arg1: memref<23xi32, #tpu.memory_space<smem>>) -> (i32, i32) {
    %c0_i32 = arith.constant 0 : i32
    %c0_i32_0 = arith.constant 0 : i32
    return %arg0, %c0_i32 : i32, i32
  }
  func.func @transform_2(%arg0: i32, %arg1: memref<23xi32, #tpu.memory_space<smem>>) -> (i32, i32, i32) {
    %get3A = arith.index_cast %arg0 : i32 to index
    %get3A_0 = memref.load %arg1[%get3A] : memref<23xi32, #tpu.memory_space<smem>>
    %c0_i32 = arith.constant 0 : i32
    %c0_i32_1 = arith.constant 0 : i32
    %c0_i32_2 = arith.constant 0 : i32
    return %get3A_0, %c0_i32, %c0_i32_1 : i32, i32, i32
  }
  func.func @transform_3(%arg0: i32, %arg1: memref<23xi32, #tpu.memory_space<smem>>) -> (i32, i32, i32) {
    %get3A = arith.index_cast %arg0 : i32 to index
    %get3A_0 = memref.load %arg1[%get3A] : memref<23xi32, #tpu.memory_space<smem>>
    %c0_i32 = arith.constant 0 : i32
    %c0_i32_1 = arith.constant 0 : i32
    %c0_i32_2 = arith.constant 0 : i32
    return %get3A_0, %c0_i32, %c0_i32_1 : i32, i32, i32
  }
  func.func @transform_4(%arg0: i32, %arg1: memref<23xi32, #tpu.memory_space<smem>>) -> (i32, i32) {
    %c0_i32 = arith.constant 0 : i32
    %c0_i32_0 = arith.constant 0 : i32
    return %arg0, %c0_i32 : i32, i32
  }
}

</mosaic_0001>

<sc_bundles>
// kernel: kernel.6.cloned.1.call-start
scs
__scs_entry_jumppad:
0x0: {  	(pc) =	sbr.rel $0x88, $3  }
0x1: {  	(tag) =	ssettag $0x0;
	lr =	simm.s32 $0x1  }
0x2: {  	[smem:$0x3F9C] =	sst lr;
	_ =	strace $0xD0000000  }
0x3: {  	_ = 	snop  }
0x4: {  	_ = 	snop  }
0x5: {  	_ = 	snop  }
0x6: {  	_ = 	snop  }
0x7: {  	_ = 	snop  }
__scs_overlays_trampoline_lowered:
0x8: {  	[smem:$0x3FAB] =	sst s0  }
0x9: {  	[smem:$0x3FAC] =	sst s1  }
0xa: {  	[smem:$0x3FAD] =	sst s2  }
0xb: {  	[smem:$0x3FAE] =	sst s3  }
0xc: {  	[smem:$0x3FAF] =	sst s4  }
0xd: {  	[smem:$0x3FB0] =	sst s5  }
0xe: {  	[smem:$0x3FB1] =	sst s6  }
0xf: {  	[smem:$0x3FB2] =	sst s7  }
0x10: {  	[smem:$0x3FB3] =	sst s8  }
0x11: {  	[smem:$0x3FB4] =	sst s9;
	s0 =	simm.s32 @!p0 $0x0  }
0x12: {  	s1 =	sld [smem:$0x3F9A];
	s0 =	simm.s32 @p0 $0x1  }
0x13: {  	[smem:$0x3FB5] =	sst s0;
	s0 =	simm.s32 @!p1 $0x0  }
0x14: {  	s2 =	sld [smem:$0x3F99];
	s0 =	simm.s32 @p1 $0x1  }
0x15: {  	[smem:$0x3FB6] =	sst s0;
	s0 =	simm.s32 @!p2 $0x0  }
0x16: {  	s3 =	sld [smem:$0x3FDB];
	s0 =	simm.s32 @p2 $0x1  }
0x17: {  	s4 =	simm.s32 $0x1BF5;
	[smem:$0x3FB8] =	sst s0  }
0x18: {  	s0 =	sld [smem:$0x3F9B];
	_ =	swait.ge [sflag:s4], $0x0  }
0x19: {  	s7 =	sld [smem:$0x3F9C]  }
0x1a: {  	s8 =	sadd.s32 $0xFFFFE003, lr  }
0x1b: {  	s9 =	sadd.s32 $0xFFFFFEF7, lr;
	s5 =	simm.s32 $0xFFFFFFFF;
	p2 =	slt.u32 s8, $0xFFFFF086  }
0x1c: {  	p1 =	slt.u32 s9, $0xF7A;
	s5 =	simm.s32 @!p2 $0x0  }
0x1d: {  	s5 =	simm.s32 @p1 $0x1;
	p0 =	seq.s32 s7, s2  }
0x1e: {  	s7 =	smul.u32 @!p0 $0xF7A, s2;
	p2 =	seq.s32 @!p0 s5, $0x0  }
0x1f: {  	s9 =	smul.u32 $0xF7A, s1;
	s8 =	simm.s32 @!p0 $0x1BF5;
	p2 =	por !p2, p0  }
0x20: {  	[sflag:s8] =	ssyncset.s32 @!p0 $0xFFFFF086;
	s6 =	sadd.s32 @!p0 s3, s7;
	s7 =	simm.s32 @!p0 $0x108  }
0x21: {  	s3 =	sadd.s32 s3, s9;
	s6 =	sadd.s32 @!p0 $0x88, s6;
	s7 =	simm.s32 @p2 $0x1082  }
0x22: {  	[simem:s7], [sflag:s8] =	dma.local @!p0 [hbm:s6], $0xF7A  }
0x23: {  	s9 =	sor.u32 $0xD0000000, s2;
	s6 =	simm.s32 $0x108;
	_ =	swait.ge @!p0 [sflag:s8], $0x0  }
0x24: {  	s3 =	sadd.s32 $0x88, s3;
	s6 =	simm.s32 @!p1 $0x1082;
	[sflag:s4] =	ssyncset.s32 $0xFFFFF086  }
0x25: {  	[simem:s6], [sflag:s4] =	dma.local [hbm:s3], $0xF7A  }
0x26: {  	[smem:$0x3F9C] =	sst s1;
	(tag) =	ssettag s2;
	_ =	strace s9  }
0x27: {  	s1 =	sld [smem:$0x3FAC]  }
0x28: {  	s2 =	sld [smem:$0x3FAD]  }
0x29: {  	s4 =	sld [smem:$0x3FAF]  }
0x2a: {  	p0 =	seq.s32 s5, $0x0;
	s5 =	sld [smem:$0x3FB0]  }
0x2b: {  	s6 =	sld [smem:$0x3FB1]  }
0x2c: {  	s7 =	sld [smem:$0x3FB2]  }
0x2d: {  	s3 =	simm.s32 $0x108;
	s8 =	sld [smem:$0x3FB3]  }
0x2e: {  	s3 =	simm.s32 @!p0 $0x1082;
	s9 =	sld [smem:$0x3FB4]  }
0x2f: {  	lr =	sadd.s32 s0, s3;
	s0 =	sld [smem:$0x3FAB]  }
0x30: {  	s3 =	sld [smem:$0x3FAE]  }
0x31: {  	[smem:$0x3FB7] =	sst s10  }
0x32: {  	s10 =	sld [smem:$0x3FB5];
	_ =	sdelay $0x3  }
0x33: {  	p0 =	seq.s32 s10, $0x1;
	s10 =	sld [smem:$0x3FB7];
	_ =	sdelay $0x3  }
0x34: {  	[smem:$0x3FB7] =	sst s10  }
0x35: {  	s10 =	sld [smem:$0x3FB6];
	_ =	sdelay $0x3  }
0x36: {  	p1 =	seq.s32 s10, $0x1;
	s10 =	sld [smem:$0x3FB7];
	_ =	sdelay $0x3  }
0x37: {  	[smem:$0x3FB7] =	sst s10  }
0x38: {  	s10 =	sld [smem:$0x3FB8]  }
0x39: {  	_ = 	snop;
	(pc) =	sbr.ind lr, $3  }
0x3a: {  	_ = 	snop  }
0x3b: {  	_ = 	snop  }
0x3c: {  	p2 =	seq.s32 s10, $0x1;
	s10 =	sld [smem:$0x3FB7]  }
0x3d: {  	_ =	shalt  }
0x3e: {  	_ =	shalt  }
0x3f: {  	_ =	shalt  }
0x40: {  	_ =	shalt  }
0x41: {  	_ =	shalt  }
0x42: {  	_ =	shalt  }
0x43: {  	_ =	shalt  }
0x44: {  	_ =	shalt  }
0x45: {  	_ =	shalt  }
0x46: {  	_ =	shalt  }
0x47: {  	_ =	shalt  }
0x48: {  	_ =	shalt  }
0x49: {  	_ =	shalt  }
0x4a: {  	_ =	shalt  }
0x4b: {  	_ =	shalt  }
0x4c: {  	_ =	shalt  }
0x4d: {  	_ =	shalt  }
0x4e: {  	_ =	shalt  }
0x4f: {  	_ =	shalt  }
0x50: {  	_ =	shalt  }
0x51: {  	_ =	shalt  }
0x52: {  	_ =	shalt  }
0x53: {  	_ =	shalt  }
0x54: {  	_ =	shalt  }
0x55: {  	_ =	shalt  }
0x56: {  	_ =	shalt  }
0x57: {  	_ =	shalt  }
0x58: {  	_ =	shalt  }
0x59: {  	_ =	shalt  }
0x5a: {  	_ =	shalt  }
0x5b: {  	_ =	shalt  }
0x5c: {  	_ =	shalt  }
0x5d: {  	_ =	shalt  }
0x5e: {  	_ =	shalt  }
0x5f: {  	_ =	shalt  }
0x60: {  	_ =	shalt  }
0x61: {  	_ =	shalt  }
0x62: {  	_ =	shalt  }
0x63: {  	_ =	shalt  }
0x64: {  	_ =	shalt  }
0x65: {  	_ =	shalt  }
0x66: {  	_ =	shalt  }
0x67: {  	_ =	shalt  }
0x68: {  	_ =	shalt  }
0x69: {  	_ =	shalt  }
0x6a: {  	_ =	shalt  }
0x6b: {  	_ =	shalt  }
0x6c: {  	_ =	shalt  }
0x6d: {  	_ =	shalt  }
0x6e: {  	_ =	shalt  }
0x6f: {  	_ =	shalt  }
0x70: {  	_ =	shalt  }
0x71: {  	_ =	shalt  }
0x72: {  	_ =	shalt  }
0x73: {  	_ =	shalt  }
0x74: {  	_ =	shalt  }
0x75: {  	_ =	shalt  }
0x76: {  	_ =	shalt  }
0x77: {  	_ =	shalt  }
0x78: {  	_ =	shalt  }
0x79: {  	_ =	shalt  }
0x7a: {  	_ =	shalt  }
0x7b: {  	_ =	shalt  }
0x7c: {  	_ =	shalt  }
0x7d: {  	_ =	shalt  }
0x7e: {  	_ =	shalt  }
0x7f: {  	_ =	shalt  }
0x80: {  	_ =	shalt  }
0x81: {  	_ =	shalt  }
0x82: {  	_ =	shalt  }
0x83: {  	_ =	shalt  }
0x84: {  	_ =	shalt  }
0x85: {  	_ =	shalt  }
0x86: {  	_ =	shalt  }
0x87: {  	_ =	shalt  }
.Lfunc_end0:
.L_simem_size_0:
called_computation_lowered:
.L_overlay_start_0:
0x88: {  	s2 =	sld [smem:$0x3FD9]  }
0x89: {  	s3 =	sld [smem:$0x3FFE];
	_ =	sdelay $0x1  }
0x8a: {  	s1 =	srdreg.scid  }
0x8b: {  	s0 =	sand.u32 $0x1, s1  }
0x8c: {  	s14 =	sshll.u32 s0, $0xA;
	s2 =	sadd.s32 s3, s2  }
0x8d: {  	s2 =	sadd.s32 s2, s14  }
0x8e: {  	[smem:$0x3FC3] =	sst s2  }
0x8f: {  	_ = 	snop  }
0x90: {  	s2 =	sld [smem:$0x3FD0];
	_ =	sdelay $0x2  }
0x91: {  	s4 =	simm.s32 $0xA;
	s5 =	simm.s32 $0x10;
	s15 =	sld [smem:$0x3FC9]  }
0x92: {  	[smem:s5], [sflag:s4] =	dma.local [hbm:s2], $0x1  }
0x93: {  	_ =	swait.eq [sflag:s4], $0x1  }
0x94: {  	[sflag:s4] =	ssyncset.done $0x0  }
0x95: {  	[sflag:s4] =	ssyncadd.s32 $0xFFFFFFFF  }
0x96: {  	s16 =	sld [smem:$0x10];
	(tm) =	ssettm $0x1  }
0x97: {  	s17 =	sld [smem:$0x3FFB];
	_ =	sdelay $0x3  }
0x98: {  	_ =	strace s17  }
0x99: {  	s4 =	sld [smem:$0x3FFC];
	_ =	sdelay $0x3  }
0x9a: {  	_ =	strace s4  }
0x9b: {  	s4 =	sld [smem:$0x3FFD];
	_ =	sdelay $0x3  }
0x9c: {  	_ =	strace s4  }
0x9d: {  	_ =	strace $0x8FFFFFFF  }
0x9e: {  	s18 =	sld [smem:$0x3FDB];
	_ =	sdelay $0x1  }
0x9f: {  	s19 =	simm.s32 $_scs_section_size  }
0xa0: {  	s6 =	simm.s32 $_size__tile_overlayer_lowered;
	s7 =	simm.s32 $_tile_overlayer_lowered  }
0xa1: {  	s22 =	simm.s32 $0x1BFF;
	s21 =	sshll.u32 s7, $0x1;
	s4 =	sadd.s32 s19, s18  }
0xa2: {  	s8 =	simm.s32 $0x0;
	s20 =	sshll.u32 s6, $0x1;
	s6 =	sadd.s32 s21, s4  }
0xa3: {  	[timem:s8], [sflag:s22] =	dma.local [hbm:s6], s20  }
0xa4: {  	_ =	swait.ge [sflag:s22], s20  }
0xa5: {  	s5 =	ssub.s32 $0x0, s20;
	[sflag:s22] =	ssyncset.done $0x0  }
0xa6: {  	[sflag:s22] =	ssyncadd.s32 s5;
	_ =	sdelay $0x1  }
0xa7: {  	s23 =	simm.s32 $0x1B8B  }
0xa8: {  	_ =	swait.ge [sflag:s23], $0x1  }
0xa9: {  	[sflag:s23] =	ssyncset.done $0x0  }
0xaa: {  	s25 =	simm.s32 $0x1B8E;
	s24 =	sld [smem:$0x3FFE];
	[sflag:s23] =	ssyncadd.s32 $0xFFFFFFFF  }
0xab: {  	s26 =	simm.s32 $execute0_lowered;
	[smem:$0x3FD2] =	sst s25  }
0xac: {  	s6 =	sshll.u32 s26, $0x1;
	_ =	strace $0x80000046;
	[dreg:$0x1] =	wrdreg $0xFFFFFFFF  }
0xad: {  	s28 =	simm.s32 $_size_execute0_lowered;
	s4 =	sadd.s32 s4, s6;
	[dreg:$0x0] =	wrdreg $0x0  }
0xae: {  	s6 =	sshll.u32 s28, $0x1;
	[dreg:$0x2] =	wrdreg s4  }
0xaf: {  	[dreg:$0x3] =	wrdreg s6  }
0xb0: {  	[dreg:$0x4] =	wrdreg $0xC0  }
0xb1: {  	_ =	task [dreg:s8], $0x5FFFF  }
0xb2: {  	[dreg:$0x1] =	wrdreg $0xFFFFFFFF  }
0xb3: {  	[dreg:$0x0] =	wrdreg $0x60  }
0xb4: {  	[dreg:$0x2] =	wrdreg s15  }
0xb5: {  	[dreg:$0x3] =	wrdreg s24  }
0xb6: {  	[dreg:$0x4] =	wrdreg s16  }
0xb7: {  	[dreg:$0x5] =	wrdreg $0x9  }
0xb8: {  	_ =	task.clear_ibuf [dreg:s8], $0x6FFFF;
	_ =	strace $0x90000046  }
0xb9: {  	s29 =	simm.s32 $0x9;
	_ =	strace $0x80000048  }
0xba: {  	_ =	swait.ge [sflag:s29], $0x1  }
0xbb: {  	[sflag:s29] =	ssyncadd.s32 $0xFFFFFFFF  }
0xbc: {  	_ =	strace $0x90000048  }
0xbd: {  	_ =	sfence  }
0xbe: {  	s30 =	sld [smem:$0x0];
	_ =	sdelay $0x2  }
0xbf: {  	s31 =	sshll.u32 s1, $0xD;
	s1 =	sshrl.u32 s1, $0x2  }
0xc0: {  	s3 =	sand.u32 $0x4000, s31;
	s1 =	sadd.s32 s1, s30  }
0xc1: {  	s0 =	sor.u32 s3, s0;
	s1 =	sshll.u32 s1, $0x11  }
0xc2: {  	s0 =	sor.u32 s1, s0  }
0xc3: {  	s0 =	sadd.s32 $0x8F2B, s0  }
0xc4: {  	[sflag:s0] =	ssyncadd.remote.s32 $0x1  }
0xc5: {  	_ =	sfence.sel $0xFFFF  }
0xc6: {  	[dreg:$0x0] =	wrdreg $0xFFFFFFFF;
	(pc) =	sbr.abs _section_cstart, $3  }
0xc7: {  	[dreg:$0x1] =	wrdreg $0xFFFFFFFF  }
0xc8: {  	_ =	task.clear_ibuf [dreg:s8], $0x2FFFF;
	_ =	strace $0x9FFFFFFF  }
0xc9: {  	(tm) =	ssettm $0x7FFFFFFF  }
tec
execute0_lowered:
.L_overlay_start_1:
0x0: {  	(tag) =	ssettag $0x1  }
0x1: {  	s3 =	rddreg [dreg:$0x0]  }
0x2: {  	s1 =	rddreg [dreg:$0x1]  }
0x3: {  	s2 =	srdreg.scid;
	s4 =	rddreg [dreg:$0x2]  }
0x4: {  	s5 =	sand.u32 $0x1, s2;
	[dreg:$0x4] =	wrdreg s4;
	s2 =	simm.s32 $0x0  }
0x5: {  	s22 =	simm.s32 $0x880;
	[smem:$0x7FF] =	sst s2  }
0x6: {  	s23 =	simm.s32 $0x1080;
	_ =	strace $0x80000047;
	[dreg:$0x8] =	wrdreg s22  }
0x7: {  	s24 =	simm.s32 $0x1880;
	[dreg:$0x9] =	wrdreg s23  }
0x8: {  	s25 =	simm.s32 $0x2080;
	[dreg:$0xa] =	wrdreg s24  }
0x9: {  	s0 =	stileid.u32;
	s26 =	simm.s32 $0x2880;
	[dreg:$0xb] =	wrdreg s25  }
0xa: {  	s19 =	sshll.u32 s0, $0x1;
	s0 =	simm.s32 $0x3080;
	[dreg:$0xc] =	wrdreg s26  }
0xb: {  	s8 =	simm.s32 $0x5080;
	[dreg:$0xd] =	wrdreg s0  }
0xc: {  	s9 =	simm.s32 $0x5880;
	s10 =	simm.s32 $0x6080;
	[dreg:$0x11] =	wrdreg s8  }
0xd: {  	s11 =	simm.s32 $0x6880;
	s12 =	simm.s32 $0x7080;
	[dreg:$0x12] =	wrdreg s9  }
0xe: {  	s13 =	simm.s32 $0x7880;
	s14 =	simm.s32 $0x8080;
	[dreg:$0x13] =	wrdreg s10  }
0xf: {  	s15 =	simm.s32 $0x8880;
	s16 =	simm.s32 $0x9080;
	[dreg:$0x14] =	wrdreg s11  }
0x10: {  	s17 =	simm.s32 $0x9880;
	s18 =	simm.s32 $0xA080;
	[dreg:$0x15] =	wrdreg s12  }
0x11: {  	s28 =	simm.s32 $0x16880;
	s29 =	simm.s32 $0x17080;
	[dreg:$0x16] =	wrdreg s13  }
0x12: {  	s30 =	simm.s32 $0x17880;
	s31 =	simm.s32 $0x1;
	[dreg:$0x17] =	wrdreg s14  }
0x13: {  	s20 =	sor.u32 s5, s19;
	s5 =	ssub.s32 $0x2, s5;
	[dreg:$0x18] =	wrdreg s15  }
0x14: {  	s6 =	sshll.u32 s20, $0x4;
	s7 =	smul.u32 $0x3000, s20;
	[dreg:$0x19] =	wrdreg s16  }
0x15: {  	s4 =	sshll.u32 s20, $0xB;
	[dreg:$0x1a] =	wrdreg s17;
	s19 =	sshrl.u32 s5, $0x1  }
0x16: {  	[dreg:$0x1b] =	wrdreg s18;
	s20 =	simm.s32 $0xA880;
	s22 =	simm.s32 $0xB880  }
0x17: {  	s23 =	simm.s32 $0xC080;
	s24 =	simm.s32 $0xC880;
	s25 =	simm.s32 $0xD080  }
0x18: {  	s8 =	simm.s32 $0x80;
	s26 =	simm.s32 $0xD880;
	s9 =	simm.s32 $0x18080  }
0x19: {  	s11 =	simm.s32 $0xE880;
	s12 =	simm.s32 $0xF080;
	[dreg:$0x1c] =	wrdreg s20  }
0x1a: {  	s13 =	simm.s32 $0xF880;
	s14 =	simm.s32 $0x10080;
	[dreg:$0x1e] =	wrdreg s22  }
0x1b: {  	s15 =	simm.s32 $0x10880;
	s16 =	simm.s32 $0x11080;
	[dreg:$0x1f] =	wrdreg s23  }
0x1c: {  	s17 =	simm.s32 $0x11880;
	s18 =	simm.s32 $0x12080;
	[smem:$0x7FB] =	sst s24  }
0x1d: {  	s6 =	sadd.s32 s6, s1;
	s4 =	sadd.s32 s4, s1;
	[smem:$0x7FC] =	sst s25  }
0x1e: {  	[smem:$0x7FD] =	sst s26;
	s20 =	simm.s32 $0x13080;
	s6 =	sadd.s32 $0x11C00, s6  }
0x1f: {  	s22 =	simm.s32 $0x14080;
	s3 =	sadd.s32 s3, s7;
	[dreg:$0x5] =	wrdreg s6  }
0x20: {  	s23 =	simm.s32 $0x14880;
	s21 =	sadd.s32 $0x1C00, s4;
	[dreg:$0x6] =	wrdreg s3  }
0x21: {  	s24 =	simm.s32 $0x15080;
	s4 =	simm.s32 $0x3880;
	[dreg:$0x7] =	wrdreg s21  }
0x22: {  	s25 =	simm.s32 $0x15880;
	s7 =	simm.s32 $0x4880;
	[dreg:$0xe] =	wrdreg s4  }
0x23: {  	s26 =	simm.s32 $0x16080;
	s6 =	simm.s32 $0x4080;
	[dreg:$0x10] =	wrdreg s7  }
0x24: {  	s3 =	sadd.s32 $0x11E00, s1;
	s21 =	simm.s32 $0xB080;
	s4 =	sadd.s32 $0x11F00, s1  }
0x25: {  	v2 =	vlaneseq.u32;
	s7 =	simm.s32 $0x3;
	[dreg:$0xf] =	wrdreg s6;
	s6 =	ssub.s32 s5, s19  }
0x26: {  	vm0 =	vmmov $0xffff;
	v1 =	vshrl.u32 v2, $0x3;
	[dreg:$0x1d] =	wrdreg s21;
	s5 =	sadd.s32 $0x12000, s1;
	s19 =	simm.s32 $0x12880  }
0x27: {  	v0 =	vand.u32 $0x7, v2;
	v2 =	vor.u32 $0x8, v2;
	v1 =	vmul.u32 $0x8, v1;
	s21 =	simm.s32 $0x13880;
	s1 =	simm.s32 $0x2;
	s6 =	smax.u32 s6, $0x1  }
.LBB2_1:
0x28: {  	s0 =	rddreg [dreg:$0x5]  }
0x29: {  	[tilespmem:s2], [sflag:$0x3] =	stream.linear.gather [hbm4b:s0+s2], $0x80, $0x38;
	[tilespmem:$0x1C080] =	vst v63  }
0x2a: {  	_ =	swait.ge [sflag:s7], $0x80  }
0x2b: {  	[sflag:s7] =	ssyncset.done $0x0  }
0x2c: {  	s10 =	rddreg [dreg:$0x6];
	[sflag:s7] =	ssyncadd.s32 $0xFFFFFF80  }
0x2d: {  	[tilespmem:s8], [sflag:$0x3] =	stream.linear.gather [hbm4b:s10+s2], $0x18000, $0x38;
	[tilespmem:$0x1C080] =	vst v63  }
0x2e: {  	_ =	swait.ge [sflag:s7], $0x18000  }
0x2f: {  	[sflag:s7] =	ssyncset.done $0x0  }
0x30: {  	s10 =	rddreg [dreg:$0x7];
	[sflag:s7] =	ssyncadd.s32 $0xFFFE8000  }
0x31: {  	[tilespmem:s9], [sflag:$0x3] =	stream.linear.gather [hbm4b:s10+s2], $0x4000, $0x38;
	[tilespmem:$0x1C080] =	vst v63  }
0x32: {  	_ =	swait.ge [sflag:s7], $0x4000  }
0x33: {  	[sflag:s7] =	ssyncset.done $0x0  }
0x34: {  	[sflag:s7] =	ssyncadd.s32 $0xFFFFC000  }
0x35: {  	v3 =	vld [tilespmem:$0x0];
	_ =	sdelay $0x4  }
0x36: {  	v4 =	vshrl.u32 v3, $0x3  }
0x37: {  	v4 =	vmul.u32 $0x30, v4  }
0x38: {  	v3 =	vand.u32 $0x7, v3  }
0x39: {  	v3 =	vor.u32 v3, v4  }
0x3a: {  	v4 =	vperm.xlane v3, v0;
	_ =	sdelay $0x1  }
0x3b: {  	v4 =	vadd.s32 v1, v4;
	_ =	sdelay $0x3  }
0x3c: {  	v3 =	vperm.xlane v3, v2  }
0x3d: {  	[hbm4b:s3+s2] =	stream.indirect_vreg.scatter [tilespmem:s8], [sflag:$0x1], $0x80, v4, vm0, $0xb8;
	[tilespmem:$0x1C080] =	vst v63  }
0x3e: {  	s0 =	rddreg [dreg:$0x8];
	v3 =	vadd.s32 v1, v3  }
0x3f: {  	[hbm4b:s4+s2] =	stream.indirect_vreg.scatter [tilespmem:s0], [sflag:$0x1], $0x80, v4, vm0, $0xb8;
	[tilespmem:$0x1C080] =	vst v63  }
0x40: {  	s10 =	rddreg [dreg:$0x9]  }
0x41: {  	[hbm4b:s5+s2] =	stream.indirect_vreg.scatter [tilespmem:s10], [sflag:$0x1], $0x80, v4, vm0, $0xb8;
	[tilespmem:$0x1C080] =	vst v63  }
0x42: {  	s0 =	rddreg [dreg:$0xa]  }
0x43: {  	[hbm4b:s3+s2] =	stream.indirect_vreg.scatter [tilespmem:s0], [sflag:$0x1], $0x80, v3, vm0, $0xb8;
	[tilespmem:$0x1C080] =	vst v63  }
0x44: {  	s10 =	rddreg [dreg:$0xb]  }
0x45: {  	[hbm4b:s4+s2] =	stream.indirect_vreg.scatter [tilespmem:s10], [sflag:$0x1], $0x80, v3, vm0, $0xb8;
	[tilespmem:$0x1C080] =	vst v63  }
0x46: {  	s0 =	rddreg [dreg:$0xc]  }
0x47: {  	[hbm4b:s5+s2] =	stream.indirect_vreg.scatter [tilespmem:s0], [sflag:$0x1], $0x80, v3, vm0, $0xb8;
	[tilespmem:$0x1C080] =	vst v63  }
0x48: {  	v3 =	vld [tilespmem:$0x10];
	_ =	sdelay $0x4  }
0x49: {  	v57 =	vshrl.u32 v3, $0x3  }
0x4a: {  	v4 =	vmul.u32 $0x30, v57  }
0x4b: {  	v3 =	vand.u32 $0x7, v3  }
0x4c: {  	v3 =	vor.u32 v3, v4  }
0x4d: {  	v4 =	vperm.xlane v3, v0;
	_ =	sdelay $0x1  }
0x4e: {  	v4 =	vadd.s32 v1, v4;
	_ =	sdelay $0x3  }
0x4f: {  	s0 =	rddreg [dreg:$0xd];
	v3 =	vperm.xlane v3, v2  }
0x50: {  	[hbm4b:s3+s2] =	stream.indirect_vreg.scatter [tilespmem:s0], [sflag:$0x1], $0x80, v4, vm0, $0xb8;
	[tilespmem:$0x1C080] =	vst v63  }
0x51: {  	s10 =	rddreg [dreg:$0xe];
	v3 =	vadd.s32 v1, v3  }
0x52: {  	[hbm4b:s4+s2] =	stream.indirect_vreg.scatter [tilespmem:s10], [sflag:$0x1], $0x80, v4, vm0, $0xb8;
	[tilespmem:$0x1C080] =	vst v63  }
0x53: {  	s0 =	rddreg [dreg:$0xf]  }
0x54: {  	[hbm4b:s5+s2] =	stream.indirect_vreg.scatter [tilespmem:s0], [sflag:$0x1], $0x80, v4, vm0, $0xb8;
	[tilespmem:$0x1C080] =	vst v63  }
0x55: {  	s10 =	rddreg [dreg:$0x10]  }
0x56: {  	[hbm4b:s3+s2] =	stream.indirect_vreg.scatter [tilespmem:s10], [sflag:$0x1], $0x80, v3, vm0, $0xb8;
	[tilespmem:$0x1C080] =	vst v63  }
0x57: {  	s0 =	rddreg [dreg:$0x11]  }
0x58: {  	[hbm4b:s4+s2] =	stream.indirect_vreg.scatter [tilespmem:s0], [sflag:$0x1], $0x80, v3, vm0, $0xb8;
	[tilespmem:$0x1C080] =	vst v63  }
0x59: {  	s10 =	rddreg [dreg:$0x12]  }
0x5a: {  	[hbm4b:s5+s2] =	stream.indirect_vreg.scatter [tilespmem:s10], [sflag:$0x1], $0x80, v3, vm0, $0xb8;
	[tilespmem:$0x1C080] =	vst v63  }
0x5b: {  	v3 =	vld [tilespmem:$0x20];
	_ =	sdelay $0x4  }
0x5c: {  	v58 =	vshrl.u32 v3, $0x3  }
0x5d: {  	v4 =	vmul.u32 $0x30, v58  }
0x5e: {  	v3 =	vand.u32 $0x7, v3  }
0x5f: {  	v3 =	vor.u32 v3, v4  }
0x60: {  	v4 =	vperm.xlane v3, v0;
	_ =	sdelay $0x1  }
0x61: {  	v4 =	vadd.s32 v1, v4;
	_ =	sdelay $0x3  }
0x62: {  	s0 =	rddreg [dreg:$0x13];
	v3 =	vperm.xlane v3, v2  }
0x63: {  	[hbm4b:s3+s2] =	stream.indirect_vreg.scatter [tilespmem:s0], [sflag:$0x1], $0x80, v4, vm0, $0xb8;
	[tilespmem:$0x1C080] =	vst v63  }
0x64: {  	s10 =	rddreg [dreg:$0x14];
	v3 =	vadd.s32 v1, v3  }
0x65: {  	[hbm4b:s4+s2] =	stream.indirect_vreg.scatter [tilespmem:s10], [sflag:$0x1], $0x80, v4, vm0, $0xb8;
	[tilespmem:$0x1C080] =	vst v63  }
0x66: {  	s0 =	rddreg [dreg:$0x15]  }
0x67: {  	[hbm4b:s5+s2] =	stream.indirect_vreg.scatter [tilespmem:s0], [sflag:$0x1], $0x80, v4, vm0, $0xb8;
	[tilespmem:$0x1C080] =	vst v63  }
0x68: {  	s10 =	rddreg [dreg:$0x16]  }
0x69: {  	[hbm4b:s3+s2] =	stream.indirect_vreg.scatter [tilespmem:s10], [sflag:$0x1], $0x80, v3, vm0, $0xb8;
	[tilespmem:$0x1C080] =	vst v63  }
0x6a: {  	s0 =	rddreg [dreg:$0x17]  }
0x6b: {  	[hbm4b:s4+s2] =	stream.indirect_vreg.scatter [tilespmem:s0], [sflag:$0x1], $0x80, v3, vm0, $0xb8;
	[tilespmem:$0x1C080] =	vst v63  }
0x6c: {  	s10 =	rddreg [dreg:$0x18]  }
0x6d: {  	[hbm4b:s5+s2] =	stream.indirect_vreg.scatter [tilespmem:s10], [sflag:$0x1], $0x80, v3, vm0, $0xb8;
	[tilespmem:$0x1C080] =	vst v63  }
0x6e: {  	v3 =	vld [tilespmem:$0x30];
	_ =	sdelay $0x4  }
0x6f: {  	v59 =	vshrl.u32 v3, $0x3  }
0x70: {  	v4 =	vmul.u32 $0x30, v59  }
0x71: {  	v3 =	vand.u32 $0x7, v3  }
0x72: {  	v3 =	vor.u32 v3, v4  }
0x73: {  	v4 =	vperm.xlane v3, v0;
	_ =	sdelay $0x1  }
0x74: {  	v4 =	vadd.s32 v1, v4;
	_ =	sdelay $0x3  }
0x75: {  	s0 =	rddreg [dreg:$0x19];
	v3 =	vperm.xlane v3, v2  }
0x76: {  	[hbm4b:s3+s2] =	stream.indirect_vreg.scatter [tilespmem:s0], [sflag:$0x1], $0x80, v4, vm0, $0xb8;
	[tilespmem:$0x1C080] =	vst v63  }
0x77: {  	s10 =	rddreg [dreg:$0x1a];
	v3 =	vadd.s32 v1, v3  }
0x78: {  	[hbm4b:s4+s2] =	stream.indirect_vreg.scatter [tilespmem:s10], [sflag:$0x1], $0x80, v4, vm0, $0xb8;
	[tilespmem:$0x1C080] =	vst v63  }
0x79: {  	s0 =	rddreg [dreg:$0x1b]  }
0x7a: {  	[hbm4b:s5+s2] =	stream.indirect_vreg.scatter [tilespmem:s0], [sflag:$0x1], $0x80, v4, vm0, $0xb8;
	[tilespmem:$0x1C080] =	vst v63  }
0x7b: {  	s10 =	rddreg [dreg:$0x1c]  }
0x7c: {  	[hbm4b:s3+s2] =	stream.indirect_vreg.scatter [tilespmem:s10], [sflag:$0x1], $0x80, v3, vm0, $0xb8;
	[tilespmem:$0x1C080] =	vst v63  }
0x7d: {  	s0 =	rddreg [dreg:$0x1d]  }
0x7e: {  	[hbm4b:s4+s2] =	stream.indirect_vreg.scatter [tilespmem:s0], [sflag:$0x1], $0x80, v3, vm0, $0xb8;
	[tilespmem:$0x1C080] =	vst v63  }
0x7f: {  	s10 =	rddreg [dreg:$0x1e]  }
0x80: {  	[hbm4b:s5+s2] =	stream.indirect_vreg.scatter [tilespmem:s10], [sflag:$0x1], $0x80, v3, vm0, $0xb8;
	[tilespmem:$0x1C080] =	vst v63  }
0x81: {  	v3 =	vld [tilespmem:$0x40];
	_ =	sdelay $0x4  }
0x82: {  	v60 =	vshrl.u32 v3, $0x3  }
0x83: {  	v4 =	vmul.u32 $0x30, v60  }
0x84: {  	v3 =	vand.u32 $0x7, v3  }
0x85: {  	v3 =	vor.u32 v3, v4  }
0x86: {  	v4 =	vperm.xlane v3, v0;
	_ =	sdelay $0x1  }
0x87: {  	v4 =	vadd.s32 v1, v4;
	_ =	sdelay $0x2  }
0x88: {  	s0 =	rddreg [dreg:$0x1f]  }
0x89: {  	s10 =	sld [smem:$0x7FB];
	v3 =	vperm.xlane v3, v2  }
0x8a: {  	[hbm4b:s3+s2] =	stream.indirect_vreg.scatter [tilespmem:s0], [sflag:$0x1], $0x80, v4, vm0, $0xb8;
	[tilespmem:$0x1C080] =	vst v63  }
0x8b: {  	v3 =	vadd.s32 v1, v3;
	s0 =	sld [smem:$0x7FC]  }
0x8c: {  	[hbm4b:s4+s2] =	stream.indirect_vreg.scatter [tilespmem:s10], [sflag:$0x1], $0x80, v4, vm0, $0xb8;
	[tilespmem:$0x1C080] =	vst v63  }
0x8d: {  	s10 =	sld [smem:$0x7FD]  }
0x8e: {  	[hbm4b:s5+s2] =	stream.indirect_vreg.scatter [tilespmem:s0], [sflag:$0x1], $0x80, v4, vm0, $0xb8;
	[tilespmem:$0x1C080] =	vst v63  }
0x8f: {  	_ = 	snop  }
0x90: {  	[hbm4b:s3+s2] =	stream.indirect_vreg.scatter [tilespmem:s10], [sflag:$0x1], $0x80, v3, vm0, $0xb8;
	[tilespmem:$0x1C080] =	vst v63  }
0x91: {  	s10 =	simm.s32 $0xE080  }
0x92: {  	[hbm4b:s4+s2] =	stream.indirect_vreg.scatter [tilespmem:s10], [sflag:$0x1], $0x80, v3, vm0, $0xb8;
	[tilespmem:$0x1C080] =	vst v63  }
0x93: {  	_ = 	snop  }
0x94: {  	[hbm4b:s5+s2] =	stream.indirect_vreg.scatter [tilespmem:s11], [sflag:$0x1], $0x80, v3, vm0, $0xb8;
	[tilespmem:$0x1C080] =	vst v63  }
0x95: {  	v3 =	vld [tilespmem:$0x50];
	_ =	sdelay $0x4  }
0x96: {  	v61 =	vshrl.u32 v3, $0x3  }
0x97: {  	v4 =	vmul.u32 $0x30, v61  }
0x98: {  	v3 =	vand.u32 $0x7, v3  }
0x99: {  	v3 =	vor.u32 v3, v4  }
0x9a: {  	v4 =	vperm.xlane v3, v0;
	_ =	sdelay $0x1  }
0x9b: {  	v4 =	vadd.s32 v1, v4;
	_ =	sdelay $0x3  }
0x9c: {  	v3 =	vperm.xlane v3, v2  }
0x9d: {  	[hbm4b:s3+s2] =	stream.indirect_vreg.scatter [tilespmem:s12], [sflag:$0x1], $0x80, v4, vm0, $0xb8;
	[tilespmem:$0x1C080] =	vst v63  }
0x9e: {  	v3 =	vadd.s32 v1, v3  }
0x9f: {  	[hbm4b:s4+s2] =	stream.indirect_vreg.scatter [tilespmem:s13], [sflag:$0x1], $0x80, v4, vm0, $0xb8;
	[tilespmem:$0x1C080] =	vst v63  }
0xa0: {  	_ = 	snop  }
0xa1: {  	[hbm4b:s5+s2] =	stream.indirect_vreg.scatter [tilespmem:s14], [sflag:$0x1], $0x80, v4, vm0, $0xb8;
	[tilespmem:$0x1C080] =	vst v63  }
0xa2: {  	_ = 	snop  }
0xa3: {  	[hbm4b:s3+s2] =	stream.indirect_vreg.scatter [tilespmem:s15], [sflag:$0x1], $0x80, v3, vm0, $0xb8;
	[tilespmem:$0x1C080] =	vst v63  }
0xa4: {  	_ = 	snop  }
0xa5: {  	[hbm4b:s4+s2] =	stream.indirect_vreg.scatter [tilespmem:s16], [sflag:$0x1], $0x80, v3, vm0, $0xb8;
	[tilespmem:$0x1C080] =	vst v63  }
0xa6: {  	_ = 	snop  }
0xa7: {  	[hbm4b:s5+s2] =	stream.indirect_vreg.scatter [tilespmem:s17], [sflag:$0x1], $0x80, v3, vm0, $0xb8;
	[tilespmem:$0x1C080] =	vst v63  }
0xa8: {  	v3 =	vld [tilespmem:$0x60];
	_ =	sdelay $0x4  }
0xa9: {  	v62 =	vshrl.u32 v3, $0x3  }
0xaa: {  	v4 =	vmul.u32 $0x30, v62  }
0xab: {  	v3 =	vand.u32 $0x7, v3  }
0xac: {  	v3 =	vor.u32 v3, v4  }
0xad: {  	v4 =	vperm.xlane v3, v0;
	_ =	sdelay $0x1  }
0xae: {  	v4 =	vadd.s32 v1, v4;
	_ =	sdelay $0x3  }
0xaf: {  	v3 =	vperm.xlane v3, v2  }
0xb0: {  	[hbm4b:s3+s2] =	stream.indirect_vreg.scatter [tilespmem:s18], [sflag:$0x1], $0x80, v4, vm0, $0xb8;
	[tilespmem:$0x1C080] =	vst v63  }
0xb1: {  	v3 =	vadd.s32 v1, v3  }
0xb2: {  	[hbm4b:s4+s2] =	stream.indirect_vreg.scatter [tilespmem:s19], [sflag:$0x1], $0x80, v4, vm0, $0xb8;
	[tilespmem:$0x1C080] =	vst v63  }
0xb3: {  	_ = 	snop  }
0xb4: {  	[hbm4b:s5+s2] =	stream.indirect_vreg.scatter [tilespmem:s20], [sflag:$0x1], $0x80, v4, vm0, $0xb8;
	[tilespmem:$0x1C080] =	vst v63  }
0xb5: {  	_ = 	snop  }
0xb6: {  	[hbm4b:s3+s2] =	stream.indirect_vreg.scatter [tilespmem:s21], [sflag:$0x1], $0x80, v3, vm0, $0xb8;
	[tilespmem:$0x1C080] =	vst v63  }
0xb7: {  	_ = 	snop  }
0xb8: {  	[hbm4b:s4+s2] =	stream.indirect_vreg.scatter [tilespmem:s22], [sflag:$0x1], $0x80, v3, vm0, $0xb8;
	[tilespmem:$0x1C080] =	vst v63  }
0xb9: {  	_ = 	snop  }
0xba: {  	[hbm4b:s5+s2] =	stream.indirect_vreg.scatter [tilespmem:s23], [sflag:$0x1], $0x80, v3, vm0, $0xb8;
	[tilespmem:$0x1C080] =	vst v63  }
0xbb: {  	v3 =	vld [tilespmem:$0x70];
	_ =	sdelay $0x4  }
0xbc: {  	v63 =	vshrl.u32 v3, $0x3  }
0xbd: {  	v4 =	vmul.u32 $0x30, v63  }
0xbe: {  	v3 =	vand.u32 $0x7, v3  }
0xbf: {  	v3 =	vor.u32 v3, v4  }
0xc0: {  	v4 =	vperm.xlane v3, v0;
	_ =	sdelay $0x1  }
0xc1: {  	v4 =	vadd.s32 v1, v4;
	_ =	sdelay $0x3  }
0xc2: {  	v3 =	vperm.xlane v3, v2  }
0xc3: {  	[hbm4b:s3+s2] =	stream.indirect_vreg.scatter [tilespmem:s24], [sflag:$0x1], $0x80, v4, vm0, $0xb8;
	[tilespmem:$0x1C080] =	vst v63  }
0xc4: {  	v3 =	vadd.s32 v1, v3  }
0xc5: {  	[hbm4b:s4+s2] =	stream.indirect_vreg.scatter [tilespmem:s25], [sflag:$0x1], $0x80, v4, vm0, $0xb8;
	[tilespmem:$0x1C080] =	vst v63  }
0xc6: {  	_ = 	snop  }
0xc7: {  	[hbm4b:s5+s2] =	stream.indirect_vreg.scatter [tilespmem:s26], [sflag:$0x1], $0x80, v4, vm0, $0xb8;
	[tilespmem:$0x1C080] =	vst v63  }
0xc8: {  	_ = 	snop  }
0xc9: {  	[hbm4b:s3+s2] =	stream.indirect_vreg.scatter [tilespmem:s28], [sflag:$0x1], $0x80, v3, vm0, $0xb8;
	[tilespmem:$0x1C080] =	vst v63  }
0xca: {  	_ = 	snop  }
0xcb: {  	[hbm4b:s4+s2] =	stream.indirect_vreg.scatter [tilespmem:s29], [sflag:$0x1], $0x80, v3, vm0, $0xb8;
	[tilespmem:$0x1C080] =	vst v63  }
0xcc: {  	_ = 	snop  }
0xcd: {  	[hbm4b:s5+s2] =	stream.indirect_vreg.scatter [tilespmem:s30], [sflag:$0x1], $0x80, v3, vm0, $0xb8;
	[tilespmem:$0x1C080] =	vst v63  }
0xce: {  	s10 =	rddreg [dreg:$0x4]  }
0xcf: {  	[hbm4b:s10+s8] =	stream.indirect.scatter [tilespmem:s9], [sflag:$0x2], $0x80, s2, s8, $0xb8;
	[tilespmem:$0x1C080] =	vst v63  }
0xd0: {  	p0 =	sne.s32 s6, $0x1;
	_ =	swait.ge [sflag:s31], $0x18000  }
.Ltmp0:
0xd1: {  	[sflag:s31] =	ssyncset.done $0x0;
	(pc) =	sbr.rel @p0 .LBB2_1-.Ltmp0, $4  }
0xd2: {  	[sflag:s31] =	ssyncadd.s32 $0xFFFE8000  }
0xd3: {  	_ =	swait.ge [sflag:s1], $0x4000  }
0xd4: {  	[sflag:s1] =	ssyncset.done $0x0  }
0xd5: {  	s6 =	sadd.s32 $0xFFFFFFFF, s6;
	[sflag:s1] =	ssyncadd.s32 $0xFFFFC000  }
0xd6: {  	_ =	sfence.sel $0x180000  }
0xd7: {  	[bflag:$0x0] =	sbarrier.arrive $0xFFFF  }
0xd8: {  	_ =	strace $0x90000047  }
0xd9: {  	s0 =	stileid.u32;
	[bflag:$0x2] =	sbarrier.arrive $0xFFFF  }
0xda: {  	p0 =	sne.s32 s0, $0x0;
	s0 =	rddreg [dreg:$0x3]  }
0xdb: {  	s0 =	sadd.s32 @!p0 $0x100000, s0  }
0xdc: {  	[sflag:s0] =	ssyncadd.tile.s32 @!p0 $0x1;
	_ =	shalt  }
.Lfunc_end2:
_tile_overlayer_lowered:
.L_overlay_start_2:
0xdd: {  	(tag) =	ssettag $0x2  }
0xde: {  	s0 =	rddreg [dreg:$0x0];
	s2 =	stileid.u32  }
0xdf: {  	s1 =	rddreg [dreg:$0x1];
	p0 =	sne.s32 s2, $0x0  }
0xe0: {  	s3 =	rddreg [dreg:$0x2];
	[bflag:$0x3] =	sbarrier.arrive $0xFFFF;
	s2 =	simm.s32 @!p0 $0x1C03  }
0xe1: {  	[timem:s3], [sflag:s2] =	dma.local @!p0 [hbm:s0], s1  }
0xe2: {  	s0 =	simm.s32 @!p0 $0x3  }
0xe3: {  	_ =	swait.ge @!p0 [sflag:s0], s1  }
0xe4: {  	s1 =	ssub.s32 @!p0 $0x0, s1;
	[sflag:s0] =	ssyncset.done @!p0 $0x0  }
0xe5: {  	[sflag:s0] =	ssyncadd.s32 @!p0 s1  }
0xe6: {  	[bflag:$0x3] =	sbarrier.arrive $0xFFFF  }
0xe7: {  	_ =	shalt  }

// kernel: kernel.9.cloned.1.call-start
scs
__scs_entry_jumppad:
0x0: {  	(pc) =	sbr.rel $0x88, $3  }
0x1: {  	(tag) =	ssettag $0x0;
	lr =	simm.s32 $0x1  }
0x2: {  	[smem:$0x3F9C] =	sst lr;
	_ =	strace $0xD0000000  }
0x3: {  	_ = 	snop  }
0x4: {  	_ = 	snop  }
0x5: {  	_ = 	snop  }
0x6: {  	_ = 	snop  }
0x7: {  	_ = 	snop  }
__scs_overlays_trampoline_lowered:
0x8: {  	[smem:$0x3FAB] =	sst s0  }
0x9: {  	[smem:$0x3FAC] =	sst s1  }
0xa: {  	[smem:$0x3FAD] =	sst s2  }
0xb: {  	[smem:$0x3FAE] =	sst s3  }
0xc: {  	[smem:$0x3FAF] =	sst s4  }
0xd: {  	[smem:$0x3FB0] =	sst s5  }
0xe: {  	[smem:$0x3FB1] =	sst s6  }
0xf: {  	[smem:$0x3FB2] =	sst s7  }
0x10: {  	[smem:$0x3FB3] =	sst s8  }
0x11: {  	[smem:$0x3FB4] =	sst s9;
	s0 =	simm.s32 @!p0 $0x0  }
0x12: {  	s1 =	sld [smem:$0x3F9A];
	s0 =	simm.s32 @p0 $0x1  }
0x13: {  	[smem:$0x3FB5] =	sst s0;
	s0 =	simm.s32 @!p1 $0x0  }
0x14: {  	s2 =	sld [smem:$0x3F99];
	s0 =	simm.s32 @p1 $0x1  }
0x15: {  	[smem:$0x3FB6] =	sst s0;
	s0 =	simm.s32 @!p2 $0x0  }
0x16: {  	s3 =	sld [smem:$0x3FDB];
	s0 =	simm.s32 @p2 $0x1  }
0x17: {  	s4 =	simm.s32 $0x1BF5;
	[smem:$0x3FB8] =	sst s0  }
0x18: {  	s0 =	sld [smem:$0x3F9B];
	_ =	swait.ge [sflag:s4], $0x0  }
0x19: {  	s7 =	sld [smem:$0x3F9C]  }
0x1a: {  	s8 =	sadd.s32 $0xFFFFE003, lr  }
0x1b: {  	s9 =	sadd.s32 $0xFFFFFEF7, lr;
	s5 =	simm.s32 $0xFFFFFFFF;
	p2 =	slt.u32 s8, $0xFFFFF086  }
0x1c: {  	p1 =	slt.u32 s9, $0xF7A;
	s5 =	simm.s32 @!p2 $0x0  }
0x1d: {  	s5 =	simm.s32 @p1 $0x1;
	p0 =	seq.s32 s7, s2  }
0x1e: {  	s7 =	smul.u32 @!p0 $0xF7A, s2;
	p2 =	seq.s32 @!p0 s5, $0x0  }
0x1f: {  	s9 =	smul.u32 $0xF7A, s1;
	s8 =	simm.s32 @!p0 $0x1BF5;
	p2 =	por !p2, p0  }
0x20: {  	[sflag:s8] =	ssyncset.s32 @!p0 $0xFFFFF086;
	s6 =	sadd.s32 @!p0 s3, s7;
	s7 =	simm.s32 @!p0 $0x108  }
0x21: {  	s3 =	sadd.s32 s3, s9;
	s6 =	sadd.s32 @!p0 $0x88, s6;
	s7 =	simm.s32 @p2 $0x1082  }
0x22: {  	[simem:s7], [sflag:s8] =	dma.local @!p0 [hbm:s6], $0xF7A  }
0x23: {  	s9 =	sor.u32 $0xD0000000, s2;
	s6 =	simm.s32 $0x108;
	_ =	swait.ge @!p0 [sflag:s8], $0x0  }
0x24: {  	s3 =	sadd.s32 $0x88, s3;
	s6 =	simm.s32 @!p1 $0x1082;
	[sflag:s4] =	ssyncset.s32 $0xFFFFF086  }
0x25: {  	[simem:s6], [sflag:s4] =	dma.local [hbm:s3], $0xF7A  }
0x26: {  	[smem:$0x3F9C] =	sst s1;
	(tag) =	ssettag s2;
	_ =	strace s9  }
0x27: {  	s1 =	sld [smem:$0x3FAC]  }
0x28: {  	s2 =	sld [smem:$0x3FAD]  }
0x29: {  	s4 =	sld [smem:$0x3FAF]  }
0x2a: {  	p0 =	seq.s32 s5, $0x0;
	s5 =	sld [smem:$0x3FB0]  }
0x2b: {  	s6 =	sld [smem:$0x3FB1]  }
0x2c: {  	s7 =	sld [smem:$0x3FB2]  }
0x2d: {  	s3 =	simm.s32 $0x108;
	s8 =	sld [smem:$0x3FB3]  }
0x2e: {  	s3 =	simm.s32 @!p0 $0x1082;
	s9 =	sld [smem:$0x3FB4]  }
0x2f: {  	lr =	sadd.s32 s0, s3;
	s0 =	sld [smem:$0x3FAB]  }
0x30: {  	s3 =	sld [smem:$0x3FAE]  }
0x31: {  	[smem:$0x3FB7] =	sst s10  }
0x32: {  	s10 =	sld [smem:$0x3FB5];
	_ =	sdelay $0x3  }
0x33: {  	p0 =	seq.s32 s10, $0x1;
	s10 =	sld [smem:$0x3FB7];
	_ =	sdelay $0x3  }
0x34: {  	[smem:$0x3FB7] =	sst s10  }
0x35: {  	s10 =	sld [smem:$0x3FB6];
	_ =	sdelay $0x3  }
0x36: {  	p1 =	seq.s32 s10, $0x1;
	s10 =	sld [smem:$0x3FB7];
	_ =	sdelay $0x3  }
0x37: {  	[smem:$0x3FB7] =	sst s10  }
0x38: {  	s10 =	sld [smem:$0x3FB8]  }
0x39: {  	_ = 	snop;
	(pc) =	sbr.ind lr, $3  }
0x3a: {  	_ = 	snop  }
0x3b: {  	_ = 	snop  }
0x3c: {  	p2 =	seq.s32 s10, $0x1;
	s10 =	sld [smem:$0x3FB7]  }
0x3d: {  	_ =	shalt  }
0x3e: {  	_ =	shalt  }
0x3f: {  	_ =	shalt  }
0x40: {  	_ =	shalt  }
0x41: {  	_ =	shalt  }
0x42: {  	_ =	shalt  }
0x43: {  	_ =	shalt  }
0x44: {  	_ =	shalt  }
0x45: {  	_ =	shalt  }
0x46: {  	_ =	shalt  }
0x47: {  	_ =	shalt  }
0x48: {  	_ =	shalt  }
0x49: {  	_ =	shalt  }
0x4a: {  	_ =	shalt  }
0x4b: {  	_ =	shalt  }
0x4c: {  	_ =	shalt  }
0x4d: {  	_ =	shalt  }
0x4e: {  	_ =	shalt  }
0x4f: {  	_ =	shalt  }
0x50: {  	_ =	shalt  }
0x51: {  	_ =	shalt  }
0x52: {  	_ =	shalt  }
0x53: {  	_ =	shalt  }
0x54: {  	_ =	shalt  }
0x55: {  	_ =	shalt  }
0x56: {  	_ =	shalt  }
0x57: {  	_ =	shalt  }
0x58: {  	_ =	shalt  }
0x59: {  	_ =	shalt  }
0x5a: {  	_ =	shalt  }
0x5b: {  	_ =	shalt  }
0x5c: {  	_ =	shalt  }
0x5d: {  	_ =	shalt  }
0x5e: {  	_ =	shalt  }
0x5f: {  	_ =	shalt  }
0x60: {  	_ =	shalt  }
0x61: {  	_ =	shalt  }
0x62: {  	_ =	shalt  }
0x63: {  	_ =	shalt  }
0x64: {  	_ =	shalt  }
0x65: {  	_ =	shalt  }
0x66: {  	_ =	shalt  }
0x67: {  	_ =	shalt  }
0x68: {  	_ =	shalt  }
0x69: {  	_ =	shalt  }
0x6a: {  	_ =	shalt  }
0x6b: {  	_ =	shalt  }
0x6c: {  	_ =	shalt  }
0x6d: {  	_ =	shalt  }
0x6e: {  	_ =	shalt  }
0x6f: {  	_ =	shalt  }
0x70: {  	_ =	shalt  }
0x71: {  	_ =	shalt  }
0x72: {  	_ =	shalt  }
0x73: {  	_ =	shalt  }
0x74: {  	_ =	shalt  }
0x75: {  	_ =	shalt  }
0x76: {  	_ =	shalt  }
0x77: {  	_ =	shalt  }
0x78: {  	_ =	shalt  }
0x79: {  	_ =	shalt  }
0x7a: {  	_ =	shalt  }
0x7b: {  	_ =	shalt  }
0x7c: {  	_ =	shalt  }
0x7d: {  	_ =	shalt  }
0x7e: {  	_ =	shalt  }
0x7f: {  	_ =	shalt  }
0x80: {  	_ =	shalt  }
0x81: {  	_ =	shalt  }
0x82: {  	_ =	shalt  }
0x83: {  	_ =	shalt  }
0x84: {  	_ =	shalt  }
0x85: {  	_ =	shalt  }
0x86: {  	_ =	shalt  }
0x87: {  	_ =	shalt  }
.Lfunc_end0:
.L_simem_size_0:
called_computation.1_lowered:
.L_overlay_start_0:
0x88: {  	s2 =	sld [smem:$0x3FD9]  }
0x89: {  	s3 =	sld [smem:$0x3FFE];
	_ =	sdelay $0x1  }
0x8a: {  	s1 =	srdreg.scid  }
0x8b: {  	s0 =	sand.u32 $0x1, s1  }
0x8c: {  	s14 =	sshll.u32 s0, $0xA;
	s2 =	sadd.s32 s3, s2  }
0x8d: {  	s2 =	sadd.s32 s2, s14  }
0x8e: {  	[smem:$0x3FC3] =	sst s2  }
0x8f: {  	_ = 	snop  }
0x90: {  	s2 =	sld [smem:$0x3FD0];
	_ =	sdelay $0x2  }
0x91: {  	s15 =	simm.s32 $0xA;
	s4 =	simm.s32 $0x10  }
0x92: {  	[smem:s4], [sflag:s15] =	dma.local [hbm:s2], $0x1  }
0x93: {  	_ =	swait.eq [sflag:s15], $0x1  }
0x94: {  	[sflag:s15] =	ssyncset.done $0x0  }
0x95: {  	[sflag:s15] =	ssyncadd.s32 $0xFFFFFFFF  }
0x96: {  	s16 =	sld [smem:$0x10];
	(tm) =	ssettm $0x1  }
0x97: {  	s17 =	sld [smem:$0x3FFB];
	_ =	sdelay $0x3  }
0x98: {  	_ =	strace s17  }
0x99: {  	s3 =	sld [smem:$0x3FFC];
	_ =	sdelay $0x3  }
0x9a: {  	_ =	strace s3  }
0x9b: {  	s3 =	sld [smem:$0x3FFD];
	_ =	sdelay $0x3  }
0x9c: {  	_ =	strace s3  }
0x9d: {  	_ =	strace $0x8FFFFFFF  }
0x9e: {  	s18 =	sld [smem:$0x3FDB];
	_ =	sdelay $0x1  }
0x9f: {  	s19 =	simm.s32 $_scs_section_size  }
0xa0: {  	s5 =	simm.s32 $_size__tile_overlayer_lowered;
	s6 =	simm.s32 $_tile_overlayer_lowered  }
0xa1: {  	s22 =	simm.s32 $0x1BFF;
	s21 =	sshll.u32 s6, $0x1;
	s3 =	sadd.s32 s19, s18  }
0xa2: {  	s7 =	simm.s32 $0x0;
	s20 =	sshll.u32 s5, $0x1;
	s5 =	sadd.s32 s21, s3  }
0xa3: {  	[timem:s7], [sflag:s22] =	dma.local [hbm:s5], s20  }
0xa4: {  	_ =	swait.ge [sflag:s22], s20  }
0xa5: {  	s4 =	ssub.s32 $0x0, s20;
	[sflag:s22] =	ssyncset.done $0x0  }
0xa6: {  	[sflag:s22] =	ssyncadd.s32 s4;
	_ =	sdelay $0x1  }
0xa7: {  	s23 =	simm.s32 $0x1B8B  }
0xa8: {  	_ =	swait.ge [sflag:s23], $0x1  }
0xa9: {  	[sflag:s23] =	ssyncset.done $0x0  }
0xaa: {  	s25 =	simm.s32 $0x1B8E;
	s24 =	sld [smem:$0x3FFE];
	[sflag:s23] =	ssyncadd.s32 $0xFFFFFFFF  }
0xab: {  	s26 =	simm.s32 $execute0_lowered;
	[smem:$0x3FD2] =	sst s25  }
0xac: {  	s5 =	sshll.u32 s26, $0x1;
	_ =	strace $0x80000049;
	[dreg:$0x1] =	wrdreg $0xFFFFFFFF  }
0xad: {  	s28 =	simm.s32 $_size_execute0_lowered;
	s3 =	sadd.s32 s3, s5;
	[dreg:$0x0] =	wrdreg $0x0  }
0xae: {  	s5 =	sshll.u32 s28, $0x1;
	[dreg:$0x2] =	wrdreg s3  }
0xaf: {  	[dreg:$0x3] =	wrdreg s5  }
0xb0: {  	[dreg:$0x4] =	wrdreg $0xC0  }
0xb1: {  	_ =	task [dreg:s7], $0x5FFFF  }
0xb2: {  	[dreg:$0x1] =	wrdreg $0xFFFFFFFF  }
0xb3: {  	[dreg:$0x0] =	wrdreg $0x60  }
0xb4: {  	[dreg:$0x2] =	wrdreg s24  }
0xb5: {  	[dreg:$0x3] =	wrdreg s16  }
0xb6: {  	[dreg:$0x4] =	wrdreg $0x9  }
0xb7: {  	_ =	task.clear_ibuf [dreg:s7], $0x5FFFF;
	_ =	strace $0x90000049  }
0xb8: {  	s29 =	simm.s32 $0x9;
	_ =	strace $0x8000004B  }
0xb9: {  	_ =	swait.ge [sflag:s29], $0x1  }
0xba: {  	[sflag:s29] =	ssyncadd.s32 $0xFFFFFFFF  }
0xbb: {  	_ =	strace $0x9000004B  }
0xbc: {  	_ =	sfence  }
0xbd: {  	s30 =	sld [smem:$0x0];
	_ =	sdelay $0x2  }
0xbe: {  	s31 =	sshll.u32 s1, $0xD;
	s1 =	sshrl.u32 s1, $0x2  }
0xbf: {  	s3 =	sand.u32 $0x4000, s31;
	s1 =	sadd.s32 s1, s30  }
0xc0: {  	s0 =	sor.u32 s3, s0;
	s1 =	sshll.u32 s1, $0x11  }
0xc1: {  	s0 =	sor.u32 s1, s0  }
0xc2: {  	s0 =	sadd.s32 $0x8F2B, s0  }
0xc3: {  	[sflag:s0] =	ssyncadd.remote.s32 $0x1  }
0xc4: {  	_ =	sfence.sel $0xFFFF  }
0xc5: {  	[dreg:$0x0] =	wrdreg $0xFFFFFFFF;
	(pc) =	sbr.abs _section_cstart, $3  }
0xc6: {  	[dreg:$0x1] =	wrdreg $0xFFFFFFFF  }
0xc7: {  	_ =	task.clear_ibuf [dreg:s7], $0x2FFFF;
	_ =	strace $0x9FFFFFFF  }
0xc8: {  	(tm) =	ssettm $0x7FFFFFFF  }
0xc9: {  	_ =	shalt  }
tec
execute0_lowered:
.L_overlay_start_1:
0x0: {  	(tag) =	ssettag $0x1  }
0x1: {  	s1 =	srdreg.scid;
	s0 =	stileid.u32  }
0x2: {  	s5 =	rddreg [dreg:$0x0];
	s1 =	sand.u32 $0x1, s1;
	s2 =	sshll.u32 s0, $0x1  }
0x3: {  	s3 =	rddreg [dreg:$0x1];
	s4 =	sor.u32 s1, s2;
	s2 =	simm.s32 $0x0  }
0x4: {  	s25 =	simm.s32 $0x880;
	[smem:$0x7FF] =	sst s2  }
0x5: {  	s26 =	simm.s32 $0x1080;
	_ =	strace $0x8000004A;
	[dreg:$0x5] =	wrdreg s25  }
0x6: {  	s0 =	simm.s32 $0x1880;
	[dreg:$0x6] =	wrdreg s26  }
0x7: {  	s7 =	simm.s32 $0x3080;
	[dreg:$0x7] =	wrdreg s0  }
0x8: {  	s8 =	simm.s32 $0x3880;
	[dreg:$0xa] =	wrdreg s7  }
0x9: {  	s9 =	simm.s32 $0x4080;
	[dreg:$0xb] =	wrdreg s8  }
0xa: {  	s10 =	simm.s32 $0x4880;
	[dreg:$0xc] =	wrdreg s9  }
0xb: {  	s11 =	simm.s32 $0x5080;
	[dreg:$0xd] =	wrdreg s10  }
0xc: {  	s12 =	simm.s32 $0x5880;
	[dreg:$0xe] =	wrdreg s11  }
0xd: {  	s13 =	simm.s32 $0x6080;
	[dreg:$0xf] =	wrdreg s12  }
0xe: {  	s14 =	simm.s32 $0x6880;
	s15 =	simm.s32 $0x7080;
	[dreg:$0x10] =	wrdreg s13  }
0xf: {  	s16 =	simm.s32 $0x7880;
	s17 =	simm.s32 $0x8080;
	[dreg:$0x11] =	wrdreg s14  }
0x10: {  	s18 =	simm.s32 $0x8880;
	s19 =	simm.s32 $0x9080;
	[dreg:$0x12] =	wrdreg s15  }
0x11: {  	s21 =	simm.s32 $0x9880;
	s22 =	simm.s32 $0xA080;
	[dreg:$0x13] =	wrdreg s16  }
0x12: {  	s23 =	simm.s32 $0xA880;
	s24 =	simm.s32 $0xB880;
	[dreg:$0x14] =	wrdreg s17  }
0x13: {  	s28 =	simm.s32 $0x16080;
	s29 =	simm.s32 $0x16880;
	[dreg:$0x15] =	wrdreg s18  }
0x14: {  	s30 =	simm.s32 $0x17080;
	s31 =	simm.s32 $0x17880;
	[dreg:$0x16] =	wrdreg s19  }
0x15: {  	s1 =	ssub.s32 $0x2, s1;
	s6 =	sshll.u32 s4, $0x4;
	[dreg:$0x17] =	wrdreg s21  }
0x16: {  	s4 =	smul.u32 $0x3000, s4;
	s20 =	sshrl.u32 s1, $0x1;
	[dreg:$0x18] =	wrdreg s22  }
0x17: {  	s6 =	sadd.s32 s6, s5;
	s1 =	ssub.s32 s1, s20;
	[dreg:$0x19] =	wrdreg s23  }
0x18: {  	s7 =	simm.s32 $0xB080;
	[dreg:$0x1b] =	wrdreg s24;
	s25 =	simm.s32 $0xC080  }
0x19: {  	s8 =	simm.s32 $0x80;
	s26 =	simm.s32 $0xC880;
	s10 =	simm.s32 $0xD880  }
0x1a: {  	s11 =	simm.s32 $0xE080;
	s12 =	simm.s32 $0xE880;
	s13 =	simm.s32 $0xF080  }
0x1b: {  	s14 =	simm.s32 $0xF880;
	s15 =	simm.s32 $0x10080;
	s16 =	simm.s32 $0x10880  }
0x1c: {  	s17 =	simm.s32 $0x11080;
	s18 =	simm.s32 $0x11880;
	s19 =	simm.s32 $0x12080  }
0x1d: {  	s20 =	simm.s32 $0x12880;
	s21 =	simm.s32 $0x13080;
	[dreg:$0x1a] =	wrdreg s7  }
0x1e: {  	s22 =	simm.s32 $0x13880;
	s23 =	simm.s32 $0x14080;
	[dreg:$0x1c] =	wrdreg s25  }
0x1f: {  	s24 =	simm.s32 $0x14880;
	s6 =	sadd.s32 $0x11C00, s6;
	[dreg:$0x1d] =	wrdreg s26  }
0x20: {  	s3 =	sadd.s32 s3, s4;
	s4 =	simm.s32 $0x2080;
	[dreg:$0x3] =	wrdreg s6  }
0x21: {  	s7 =	simm.s32 $0x2;
	s25 =	simm.s32 $0x15080;
	[dreg:$0x4] =	wrdreg s3  }
0x22: {  	v2 =	vlaneseq.u32;
	s26 =	simm.s32 $0x15880;
	[dreg:$0x8] =	wrdreg s4;
	s6 =	simm.s32 $0x2880  }
0x23: {  	vm0 =	vmmov $0xffff;
	v1 =	vshrl.u32 v2, $0x3;
	s3 =	sadd.s32 $0x11E00, s5;
	s4 =	sadd.s32 $0x11F00, s5;
	s5 =	sadd.s32 $0x12000, s5  }
0x24: {  	v0 =	vand.u32 $0x7, v2;
	v2 =	vor.u32 $0x8, v2;
	v1 =	vmul.u32 $0x8, v1;
	[dreg:$0x9] =	wrdreg s6;
	s6 =	smax.u32 s1, $0x1;
	s1 =	simm.s32 $0x1  }
.LBB2_1:
0x25: {  	s0 =	rddreg [dreg:$0x3]  }
0x26: {  	[tilespmem:s2], [sflag:$0x2] =	stream.linear.gather [hbm4b:s0+s2], $0x80, $0x38;
	[tilespmem:$0x18080] =	vst v63  }
0x27: {  	_ =	swait.ge [sflag:s7], $0x80  }
0x28: {  	[sflag:s7] =	ssyncset.done $0x0  }
0x29: {  	[sflag:s7] =	ssyncadd.s32 $0xFFFFFF80  }
0x2a: {  	v3 =	vld [tilespmem:$0x0];
	_ =	sdelay $0x4  }
0x2b: {  	v4 =	vshrl.u32 v3, $0x3  }
0x2c: {  	v4 =	vmul.u32 $0x30, v4  }
0x2d: {  	v3 =	vand.u32 $0x7, v3  }
0x2e: {  	v3 =	vor.u32 v3, v4  }
0x2f: {  	v4 =	vperm.xlane v3, v0;
	_ =	sdelay $0x1  }
0x30: {  	v4 =	vadd.s32 v1, v4;
	_ =	sdelay $0x3  }
0x31: {  	v3 =	vperm.xlane v3, v2  }
0x32: {  	[tilespmem:s8], [sflag:$0x1] =	stream.indirect_vreg.gather [hbm4b:s3+s2], $0x80, v4, vm0, $0xb8;
	[tilespmem:$0x18080] =	vst v63  }
0x33: {  	s0 =	rddreg [dreg:$0x5];
	v3 =	vadd.s32 v1, v3  }
0x34: {  	[tilespmem:s0], [sflag:$0x1] =	stream.indirect_vreg.gather [hbm4b:s4+s2], $0x80, v4, vm0, $0xb8;
	[tilespmem:$0x18080] =	vst v63  }
0x35: {  	s9 =	rddreg [dreg:$0x6]  }
0x36: {  	[tilespmem:s9], [sflag:$0x1] =	stream.indirect_vreg.gather [hbm4b:s5+s2], $0x80, v4, vm0, $0xb8;
	[tilespmem:$0x18080] =	vst v63  }
0x37: {  	s0 =	rddreg [dreg:$0x7]  }
0x38: {  	[tilespmem:s0], [sflag:$0x1] =	stream.indirect_vreg.gather [hbm4b:s3+s2], $0x80, v3, vm0, $0xb8;
	[tilespmem:$0x18080] =	vst v63  }
0x39: {  	s9 =	rddreg [dreg:$0x8]  }
0x3a: {  	[tilespmem:s9], [sflag:$0x1] =	stream.indirect_vreg.gather [hbm4b:s4+s2], $0x80, v3, vm0, $0xb8;
	[tilespmem:$0x18080] =	vst v63  }
0x3b: {  	s0 =	rddreg [dreg:$0x9]  }
0x3c: {  	[tilespmem:s0], [sflag:$0x1] =	stream.indirect_vreg.gather [hbm4b:s5+s2], $0x80, v3, vm0, $0xb8;
	[tilespmem:$0x18080] =	vst v63  }
0x3d: {  	v3 =	vld [tilespmem:$0x10];
	_ =	sdelay $0x4  }
0x3e: {  	v57 =	vshrl.u32 v3, $0x3  }
0x3f: {  	v4 =	vmul.u32 $0x30, v57  }
0x40: {  	v3 =	vand.u32 $0x7, v3  }
0x41: {  	v3 =	vor.u32 v3, v4  }
0x42: {  	v4 =	vperm.xlane v3, v0;
	_ =	sdelay $0x1  }
0x43: {  	v4 =	vadd.s32 v1, v4;
	_ =	sdelay $0x3  }
0x44: {  	s0 =	rddreg [dreg:$0xa];
	v3 =	vperm.xlane v3, v2  }
0x45: {  	[tilespmem:s0], [sflag:$0x1] =	stream.indirect_vreg.gather [hbm4b:s3+s2], $0x80, v4, vm0, $0xb8;
	[tilespmem:$0x18080] =	vst v63  }
0x46: {  	s9 =	rddreg [dreg:$0xb];
	v3 =	vadd.s32 v1, v3  }
0x47: {  	[tilespmem:s9], [sflag:$0x1] =	stream.indirect_vreg.gather [hbm4b:s4+s2], $0x80, v4, vm0, $0xb8;
	[tilespmem:$0x18080] =	vst v63  }
0x48: {  	s0 =	rddreg [dreg:$0xc]  }
0x49: {  	[tilespmem:s0], [sflag:$0x1] =	stream.indirect_vreg.gather [hbm4b:s5+s2], $0x80, v4, vm0, $0xb8;
	[tilespmem:$0x18080] =	vst v63  }
0x4a: {  	s9 =	rddreg [dreg:$0xd]  }
0x4b: {  	[tilespmem:s9], [sflag:$0x1] =	stream.indirect_vreg.gather [hbm4b:s3+s2], $0x80, v3, vm0, $0xb8;
	[tilespmem:$0x18080] =	vst v63  }
0x4c: {  	s0 =	rddreg [dreg:$0xe]  }
0x4d: {  	[tilespmem:s0], [sflag:$0x1] =	stream.indirect_vreg.gather [hbm4b:s4+s2], $0x80, v3, vm0, $0xb8;
	[tilespmem:$0x18080] =	vst v63  }
0x4e: {  	s9 =	rddreg [dreg:$0xf]  }
0x4f: {  	[tilespmem:s9], [sflag:$0x1] =	stream.indirect_vreg.gather [hbm4b:s5+s2], $0x80, v3, vm0, $0xb8;
	[tilespmem:$0x18080] =	vst v63  }
0x50: {  	v3 =	vld [tilespmem:$0x20];
	_ =	sdelay $0x4  }
0x51: {  	v58 =	vshrl.u32 v3, $0x3  }
0x52: {  	v4 =	vmul.u32 $0x30, v58  }
0x53: {  	v3 =	vand.u32 $0x7, v3  }
0x54: {  	v3 =	vor.u32 v3, v4  }
0x55: {  	v4 =	vperm.xlane v3, v0;
	_ =	sdelay $0x1  }
0x56: {  	v4 =	vadd.s32 v1, v4;
	_ =	sdelay $0x3  }
0x57: {  	s0 =	rddreg [dreg:$0x10];
	v3 =	vperm.xlane v3, v2  }
0x58: {  	[tilespmem:s0], [sflag:$0x1] =	stream.indirect_vreg.gather [hbm4b:s3+s2], $0x80, v4, vm0, $0xb8;
	[tilespmem:$0x18080] =	vst v63  }
0x59: {  	s9 =	rddreg [dreg:$0x11];
	v3 =	vadd.s32 v1, v3  }
0x5a: {  	[tilespmem:s9], [sflag:$0x1] =	stream.indirect_vreg.gather [hbm4b:s4+s2], $0x80, v4, vm0, $0xb8;
	[tilespmem:$0x18080] =	vst v63  }
0x5b: {  	s0 =	rddreg [dreg:$0x12]  }
0x5c: {  	[tilespmem:s0], [sflag:$0x1] =	stream.indirect_vreg.gather [hbm4b:s5+s2], $0x80, v4, vm0, $0xb8;
	[tilespmem:$0x18080] =	vst v63  }
0x5d: {  	s9 =	rddreg [dreg:$0x13]  }
0x5e: {  	[tilespmem:s9], [sflag:$0x1] =	stream.indirect_vreg.gather [hbm4b:s3+s2], $0x80, v3, vm0, $0xb8;
	[tilespmem:$0x18080] =	vst v63  }
0x5f: {  	s0 =	rddreg [dreg:$0x14]  }
0x60: {  	[tilespmem:s0], [sflag:$0x1] =	stream.indirect_vreg.gather [hbm4b:s4+s2], $0x80, v3, vm0, $0xb8;
	[tilespmem:$0x18080] =	vst v63  }
0x61: {  	s9 =	rddreg [dreg:$0x15]  }
0x62: {  	[tilespmem:s9], [sflag:$0x1] =	stream.indirect_vreg.gather [hbm4b:s5+s2], $0x80, v3, vm0, $0xb8;
	[tilespmem:$0x18080] =	vst v63  }
0x63: {  	v3 =	vld [tilespmem:$0x30];
	_ =	sdelay $0x4  }
0x64: {  	v59 =	vshrl.u32 v3, $0x3  }
0x65: {  	v4 =	vmul.u32 $0x30, v59  }
0x66: {  	v3 =	vand.u32 $0x7, v3  }
0x67: {  	v3 =	vor.u32 v3, v4  }
0x68: {  	v4 =	vperm.xlane v3, v0;
	_ =	sdelay $0x1  }
0x69: {  	v4 =	vadd.s32 v1, v4;
	_ =	sdelay $0x3  }
0x6a: {  	s0 =	rddreg [dreg:$0x16];
	v3 =	vperm.xlane v3, v2  }
0x6b: {  	[tilespmem:s0], [sflag:$0x1] =	stream.indirect_vreg.gather [hbm4b:s3+s2], $0x80, v4, vm0, $0xb8;
	[tilespmem:$0x18080] =	vst v63  }
0x6c: {  	s9 =	rddreg [dreg:$0x17];
	v3 =	vadd.s32 v1, v3  }
0x6d: {  	[tilespmem:s9], [sflag:$0x1] =	stream.indirect_vreg.gather [hbm4b:s4+s2], $0x80, v4, vm0, $0xb8;
	[tilespmem:$0x18080] =	vst v63  }
0x6e: {  	s0 =	rddreg [dreg:$0x18]  }
0x6f: {  	[tilespmem:s0], [sflag:$0x1] =	stream.indirect_vreg.gather [hbm4b:s5+s2], $0x80, v4, vm0, $0xb8;
	[tilespmem:$0x18080] =	vst v63  }
0x70: {  	s9 =	rddreg [dreg:$0x19]  }
0x71: {  	[tilespmem:s9], [sflag:$0x1] =	stream.indirect_vreg.gather [hbm4b:s3+s2], $0x80, v3, vm0, $0xb8;
	[tilespmem:$0x18080] =	vst v63  }
0x72: {  	s0 =	rddreg [dreg:$0x1a]  }
0x73: {  	[tilespmem:s0], [sflag:$0x1] =	stream.indirect_vreg.gather [hbm4b:s4+s2], $0x80, v3, vm0, $0xb8;
	[tilespmem:$0x18080] =	vst v63  }
0x74: {  	s9 =	rddreg [dreg:$0x1b]  }
0x75: {  	[tilespmem:s9], [sflag:$0x1] =	stream.indirect_vreg.gather [hbm4b:s5+s2], $0x80, v3, vm0, $0xb8;
	[tilespmem:$0x18080] =	vst v63  }
0x76: {  	v3 =	vld [tilespmem:$0x40];
	_ =	sdelay $0x4  }
0x77: {  	v60 =	vshrl.u32 v3, $0x3  }
0x78: {  	v4 =	vmul.u32 $0x30, v60  }
0x79: {  	v3 =	vand.u32 $0x7, v3  }
0x7a: {  	v3 =	vor.u32 v3, v4  }
0x7b: {  	v4 =	vperm.xlane v3, v0;
	_ =	sdelay $0x1  }
0x7c: {  	v4 =	vadd.s32 v1, v4;
	_ =	sdelay $0x3  }
0x7d: {  	s0 =	rddreg [dreg:$0x1c];
	v3 =	vperm.xlane v3, v2  }
0x7e: {  	[tilespmem:s0], [sflag:$0x1] =	stream.indirect_vreg.gather [hbm4b:s3+s2], $0x80, v4, vm0, $0xb8;
	[tilespmem:$0x18080] =	vst v63  }
0x7f: {  	s9 =	rddreg [dreg:$0x1d];
	v3 =	vadd.s32 v1, v3  }
0x80: {  	[tilespmem:s9], [sflag:$0x1] =	stream.indirect_vreg.gather [hbm4b:s4+s2], $0x80, v4, vm0, $0xb8;
	[tilespmem:$0x18080] =	vst v63  }
0x81: {  	s9 =	simm.s32 $0xD080  }
0x82: {  	[tilespmem:s9], [sflag:$0x1] =	stream.indirect_vreg.gather [hbm4b:s5+s2], $0x80, v4, vm0, $0xb8;
	[tilespmem:$0x18080] =	vst v63  }
0x83: {  	_ = 	snop  }
0x84: {  	[tilespmem:s10], [sflag:$0x1] =	stream.indirect_vreg.gather [hbm4b:s3+s2], $0x80, v3, vm0, $0xb8;
	[tilespmem:$0x18080] =	vst v63  }
0x85: {  	_ = 	snop  }
0x86: {  	[tilespmem:s11], [sflag:$0x1] =	stream.indirect_vreg.gather [hbm4b:s4+s2], $0x80, v3, vm0, $0xb8;
	[tilespmem:$0x18080] =	vst v63  }
0x87: {  	_ = 	snop  }
0x88: {  	[tilespmem:s12], [sflag:$0x1] =	stream.indirect_vreg.gather [hbm4b:s5+s2], $0x80, v3, vm0, $0xb8;
	[tilespmem:$0x18080] =	vst v63  }
0x89: {  	v3 =	vld [tilespmem:$0x50];
	_ =	sdelay $0x4  }
0x8a: {  	v61 =	vshrl.u32 v3, $0x3  }
0x8b: {  	v4 =	vmul.u32 $0x30, v61  }
0x8c: {  	v3 =	vand.u32 $0x7, v3  }
0x8d: {  	v3 =	vor.u32 v3, v4  }
0x8e: {  	v4 =	vperm.xlane v3, v0;
	_ =	sdelay $0x1  }
0x8f: {  	v4 =	vadd.s32 v1, v4;
	_ =	sdelay $0x3  }
0x90: {  	v3 =	vperm.xlane v3, v2  }
0x91: {  	[tilespmem:s13], [sflag:$0x1] =	stream.indirect_vreg.gather [hbm4b:s3+s2], $0x80, v4, vm0, $0xb8;
	[tilespmem:$0x18080] =	vst v63  }
0x92: {  	v3 =	vadd.s32 v1, v3  }
0x93: {  	[tilespmem:s14], [sflag:$0x1] =	stream.indirect_vreg.gather [hbm4b:s4+s2], $0x80, v4, vm0, $0xb8;
	[tilespmem:$0x18080] =	vst v63  }
0x94: {  	_ = 	snop  }
0x95: {  	[tilespmem:s15], [sflag:$0x1] =	stream.indirect_vreg.gather [hbm4b:s5+s2], $0x80, v4, vm0, $0xb8;
	[tilespmem:$0x18080] =	vst v63  }
0x96: {  	_ = 	snop  }
0x97: {  	[tilespmem:s16], [sflag:$0x1] =	stream.indirect_vreg.gather [hbm4b:s3+s2], $0x80, v3, vm0, $0xb8;
	[tilespmem:$0x18080] =	vst v63  }
0x98: {  	_ = 	snop  }
0x99: {  	[tilespmem:s17], [sflag:$0x1] =	stream.indirect_vreg.gather [hbm4b:s4+s2], $0x80, v3, vm0, $0xb8;
	[tilespmem:$0x18080] =	vst v63  }
0x9a: {  	_ = 	snop  }
0x9b: {  	[tilespmem:s18], [sflag:$0x1] =	stream.indirect_vreg.gather [hbm4b:s5+s2], $0x80, v3, vm0, $0xb8;
	[tilespmem:$0x18080] =	vst v63  }
0x9c: {  	v3 =	vld [tilespmem:$0x60];
	_ =	sdelay $0x4  }
0x9d: {  	v62 =	vshrl.u32 v3, $0x3  }
0x9e: {  	v4 =	vmul.u32 $0x30, v62  }
0x9f: {  	v3 =	vand.u32 $0x7, v3  }
0xa0: {  	v3 =	vor.u32 v3, v4  }
0xa1: {  	v4 =	vperm.xlane v3, v0;
	_ =	sdelay $0x1  }
0xa2: {  	v4 =	vadd.s32 v1, v4;
	_ =	sdelay $0x3  }
0xa3: {  	v3 =	vperm.xlane v3, v2  }
0xa4: {  	[tilespmem:s19], [sflag:$0x1] =	stream.indirect_vreg.gather [hbm4b:s3+s2], $0x80, v4, vm0, $0xb8;
	[tilespmem:$0x18080] =	vst v63  }
0xa5: {  	v3 =	vadd.s32 v1, v3  }
0xa6: {  	[tilespmem:s20], [sflag:$0x1] =	stream.indirect_vreg.gather [hbm4b:s4+s2], $0x80, v4, vm0, $0xb8;
	[tilespmem:$0x18080] =	vst v63  }
0xa7: {  	_ = 	snop  }
0xa8: {  	[tilespmem:s21], [sflag:$0x1] =	stream.indirect_vreg.gather [hbm4b:s5+s2], $0x80, v4, vm0, $0xb8;
	[tilespmem:$0x18080] =	vst v63  }
0xa9: {  	_ = 	snop  }
0xaa: {  	[tilespmem:s22], [sflag:$0x1] =	stream.indirect_vreg.gather [hbm4b:s3+s2], $0x80, v3, vm0, $0xb8;
	[tilespmem:$0x18080] =	vst v63  }
0xab: {  	_ = 	snop  }
0xac: {  	[tilespmem:s23], [sflag:$0x1] =	stream.indirect_vreg.gather [hbm4b:s4+s2], $0x80, v3, vm0, $0xb8;
	[tilespmem:$0x18080] =	vst v63  }
0xad: {  	_ = 	snop  }
0xae: {  	[tilespmem:s24], [sflag:$0x1] =	stream.indirect_vreg.gather [hbm4b:s5+s2], $0x80, v3, vm0, $0xb8;
	[tilespmem:$0x18080] =	vst v63  }
0xaf: {  	v3 =	vld [tilespmem:$0x70];
	_ =	sdelay $0x4  }
0xb0: {  	v63 =	vshrl.u32 v3, $0x3  }
0xb1: {  	v4 =	vmul.u32 $0x30, v63  }
0xb2: {  	v3 =	vand.u32 $0x7, v3  }
0xb3: {  	v3 =	vor.u32 v3, v4  }
0xb4: {  	v4 =	vperm.xlane v3, v0;
	_ =	sdelay $0x1  }
0xb5: {  	v4 =	vadd.s32 v1, v4;
	_ =	sdelay $0x3  }
0xb6: {  	v3 =	vperm.xlane v3, v2  }
0xb7: {  	[tilespmem:s25], [sflag:$0x1] =	stream.indirect_vreg.gather [hbm4b:s3+s2], $0x80, v4, vm0, $0xb8;
	[tilespmem:$0x18080] =	vst v63  }
0xb8: {  	v3 =	vadd.s32 v1, v3  }
0xb9: {  	[tilespmem:s26], [sflag:$0x1] =	stream.indirect_vreg.gather [hbm4b:s4+s2], $0x80, v4, vm0, $0xb8;
	[tilespmem:$0x18080] =	vst v63  }
0xba: {  	_ = 	snop  }
0xbb: {  	[tilespmem:s28], [sflag:$0x1] =	stream.indirect_vreg.gather [hbm4b:s5+s2], $0x80, v4, vm0, $0xb8;
	[tilespmem:$0x18080] =	vst v63  }
0xbc: {  	_ = 	snop  }
0xbd: {  	[tilespmem:s29], [sflag:$0x1] =	stream.indirect_vreg.gather [hbm4b:s3+s2], $0x80, v3, vm0, $0xb8;
	[tilespmem:$0x18080] =	vst v63  }
0xbe: {  	_ = 	snop  }
0xbf: {  	[tilespmem:s30], [sflag:$0x1] =	stream.indirect_vreg.gather [hbm4b:s4+s2], $0x80, v3, vm0, $0xb8;
	[tilespmem:$0x18080] =	vst v63  }
0xc0: {  	_ = 	snop  }
0xc1: {  	[tilespmem:s31], [sflag:$0x1] =	stream.indirect_vreg.gather [hbm4b:s5+s2], $0x80, v3, vm0, $0xb8;
	[tilespmem:$0x18080] =	vst v63  }
0xc2: {  	_ =	swait.ge [sflag:s1], $0x18000  }
0xc3: {  	p0 =	sne.s32 s6, $0x1;
	[sflag:s1] =	ssyncset.done $0x0  }
.Ltmp0:
0xc4: {  	s9 =	rddreg [dreg:$0x4];
	[sflag:s1] =	ssyncadd.s32 $0xFFFE8000;
	(pc) =	sbr.rel @p0 .LBB2_1-.Ltmp0, $4  }
0xc5: {  	[hbm4b:s9+s2] =	stream.linear.scatter [tilespmem:s8], [sflag:$0x2], $0x18000, $0x38;
	[tilespmem:$0x18080] =	vst v63  }
0xc6: {  	_ =	swait.ge [sflag:s7], $0x18000  }
0xc7: {  	[sflag:s7] =	ssyncset.done $0x0  }
0xc8: {  	s6 =	sadd.s32 $0xFFFFFFFF, s6;
	[sflag:s7] =	ssyncadd.s32 $0xFFFE8000  }
0xc9: {  	_ =	sfence.sel $0x180000  }
0xca: {  	[bflag:$0x0] =	sbarrier.arrive $0xFFFF  }
0xcb: {  	_ =	strace $0x9000004A  }
0xcc: {  	s0 =	stileid.u32;
	[bflag:$0x2] =	sbarrier.arrive $0xFFFF  }
0xcd: {  	p0 =	sne.s32 s0, $0x0;
	s0 =	rddreg [dreg:$0x2]  }
0xce: {  	s0 =	sadd.s32 @!p0 $0x100000, s0  }
0xcf: {  	[sflag:s0] =	ssyncadd.tile.s32 @!p0 $0x1;
	_ =	shalt  }
.Lfunc_end2:
_tile_overlayer_lowered:
.L_overlay_start_2:
0xd0: {  	(tag) =	ssettag $0x2  }
0xd1: {  	s0 =	rddreg [dreg:$0x0];
	s2 =	stileid.u32  }
0xd2: {  	s1 =	rddreg [dreg:$0x1];
	p0 =	sne.s32 s2, $0x0  }
0xd3: {  	s3 =	rddreg [dreg:$0x2];
	[bflag:$0x3] =	sbarrier.arrive $0xFFFF;
	s2 =	simm.s32 @!p0 $0x1C02  }
0xd4: {  	[timem:s3], [sflag:s2] =	dma.local @!p0 [hbm:s0], s1  }
0xd5: {  	s0 =	simm.s32 @!p0 $0x2  }
0xd6: {  	_ =	swait.ge @!p0 [sflag:s0], s1  }
0xd7: {  	s1 =	ssub.s32 @!p0 $0x0, s1;
	[sflag:s0] =	ssyncset.done @!p0 $0x0  }
0xd8: {  	[sflag:s0] =	ssyncadd.s32 @!p0 s1  }
0xd9: {  	[bflag:$0x3] =	sbarrier.arrive $0xFFFF  }
0xda: {  	_ =	shalt  }

</sc_bundles>
